<compile_context>
chip_gen: v7x
topology: tpu7x:2x2x1
jax: 0.10.2.dev20260603
libtpu: 0.0.44.dev20260713+nightly
codegen_flags: <defaults>
</compile_context>

<pallas_src>
import functools

import jax
import jax.numpy as jnp
from jax import lax
from jax.experimental import pallas as pl
from jax.experimental.pallas import tpu as pltpu
from jax.experimental.pallas import tpu_sc as plsc


def _emb_kernel(B, L, D, NW):
    CHUNKS = B // NW
    NSEG = L // 128
    SEG = 128
    LANES = 16

    mesh = plsc.VectorSubcoreMesh(core_axis_name="c", subcore_axis_name="s")

    @functools.partial(
        pl.kernel,
        out_type=jax.ShapeDtypeStruct((B, L, D), jnp.float32),
        mesh=mesh,
        compiler_params=pltpu.CompilerParams(use_tc_tiling_on_sc=False),
        scratch_types=[
            pltpu.VMEM((L, D), jnp.float32),
            pltpu.VMEM((2, NSEG, SEG), jnp.int32),
            pltpu.VMEM((2, L, D), jnp.float32),
            pltpu.SemaphoreType.DMA,
            pltpu.SemaphoreType.DMA,
        ],
    )
    def body(idx_hbm, table_hbm, pos_hbm, out_hbm, pos_v, idx_v, rows_v,
             sem0, sem1):
        sems = (sem0, sem1)
        wid = lax.axis_index("s") * 2 + lax.axis_index("c")
        base = wid * CHUNKS

        pltpu.sync_copy(pos_hbm, pos_v)

        def fire(slot, bid):
            pltpu.sync_copy(idx_hbm.at[bid], idx_v.at[slot])
            for j in range(NSEG):
                pltpu.async_copy(
                    table_hbm.at[idx_v.at[slot, j]],
                    rows_v.at[slot, pl.ds(j * SEG, SEG)],
                    sems[slot],
                )

        def process(slot, bid):
            for j in range(NSEG):
                pltpu.make_async_copy(
                    table_hbm.at[idx_v.at[slot, j]],
                    rows_v.at[slot, pl.ds(j * SEG, SEG)],
                    sems[slot],
                ).wait()
            rows_b = rows_v.at[slot]

            @plsc.parallel_loop(0, L, unroll=4)
            def _(i):
                for j in range(D // LANES):
                    sl = (i, pl.ds(j * LANES, LANES))
                    rows_b[sl] = rows_b[sl] + pos_v[sl]

            pltpu.sync_copy(rows_b, out_hbm.at[bid])

        fire(0, base)

        def chunk_pair(k, carry):
            c = base + k * 2
            fire(1, c + 1)
            process(0, c)

            @pl.when(k * 2 + 2 < CHUNKS)
            def _():
                fire(0, c + 2)

            process(1, c + 1)
            return carry

        lax.fori_loop(0, CHUNKS // 2, chunk_pair, jnp.int32(0))

    return body


def kernel(inputs, emb_table, pos_table):
    B, L = inputs.shape
    _, D = emb_table.shape
    NW = 32
    idx3 = inputs.reshape(B, L // 128, 128).astype(jnp.int32)
    return _emb_kernel(B, L, D, NW)(idx3, emb_table, pos_table)

# --- scband reference (transcript-rebuilt; emitter-appended) ---
"""Pipeline reference for scband-position-embedding-wrapper-46213848105573 (READ-ONLY COPY).

The authoritative reference and input builder live on the scoring server;
editing this copy changes nothing except your own understanding.
"""

import jax, jax.numpy as jnp
import numpy as np

VOCAB = 1000000
EMBED_DIM = 64
MAX_POSITIONS = 512
BATCH = 1024
SEQ_LEN = 512


def setup_inputs(seed: int = 0) -> dict:
    key = jax.random.key(seed)
    k_idx, k_emb, k_pos = jax.random.split(key, 3)
    inputs = jax.random.randint(k_idx, (BATCH, SEQ_LEN), 0, VOCAB, dtype=jnp.int64 if jax.config.jax_enable_x64 else jnp.int32)
    emb_table = jax.random.normal(k_emb, (VOCAB, EMBED_DIM), dtype=jnp.float32)
    pos_table = jax.random.normal(k_pos, (MAX_POSITIONS, EMBED_DIM), dtype=jnp.float32) * (EMBED_DIM ** -0.5)
    return {"inputs": inputs, "emb_table": emb_table, "pos_table": pos_table}


def reference(inputs, emb_table, pos_table):
    # embedding lookup (timing='emb', mode='embedding', 3-dim input path)
    emb = jnp.take(emb_table, inputs, axis=0)  # [B, L, D]
    length = emb.shape[1]
    position_emb = pos_table[:length]  # narrow(0, 0, L)
    return emb + position_emb[None, :, :]

if __name__ == "__main__":
    import jax
    _d = setup_inputs()
    print(jax.jit(kernel)(*tuple(_d.values())))

</pallas_src>

<mosaic_0001>
#map = affine_map<(d0, d1) -> (0, 0, 0)>
#map1 = affine_map<(d0, d1) -> (0, 0)>
module attributes {stable_mosaic.version = 14 : i64} {
  func.func @body(%arg0: i32, %arg1: i32, %arg2: memref<1024x4x128xi32, #tpu.memory_space<hbm>>, %arg3: memref<1000000x64xf32, #tpu.memory_space<hbm>>, %arg4: memref<512x64xf32, #tpu.memory_space<hbm>>, %arg5: memref<1024x512x64xf32, #tpu.memory_space<hbm>>, %arg6: memref<512x64xf32, #tpu.memory_space<vmem>>, %arg7: memref<2x4x128xi32, #tpu.memory_space<vmem>>, %arg8: memref<2x512x64xf32, #tpu.memory_space<vmem>>, %arg9: memref<!tpu.dma_semaphore, #tpu.memory_space<semaphore_mem>>, %arg10: memref<!tpu.dma_semaphore, #tpu.memory_space<semaphore_mem>>) attributes {dimension_semantics = [#tpu.dimension_semantics<core_parallel>, #tpu.dimension_semantics<subcore_parallel>], iteration_bounds = array<i64: 2, 16>, scalar_prefetch = 0 : i64, scratch_operands = 5 : i64, tpu.core_type = #tpu.core_type<sc_vector_subcore>, window_params = [{transform_indices = #map}, {transform_indices = #map1}, {transform_indices = #map1}, {transform_indices = #map}]} {
    %mul3A = arith.constant 2 : i32
    %mul3A_0 = arith.muli %arg1, %mul3A : i32
    %add3A = arith.addi %mul3A_0, %arg0 : i32
    %mul3A_1 = arith.constant 32 : i32
    %mul3A_2 = arith.muli %add3A, %mul3A_1 : i32
    "tpu.region"() ({
      %run_scoped3A_59 = tpu.sem_alloc : memref<!tpu.dma_semaphore, #tpu.memory_space<semaphore_mem>>
      tpu.enqueue_dma source(%arg4 : memref<512x64xf32, #tpu.memory_space<hbm>>) target(%arg6 : memref<512x64xf32, #tpu.memory_space<vmem>>) target_semaphore(%run_scoped3A_59 : memref<!tpu.dma_semaphore, #tpu.memory_space<semaphore_mem>>)
      tpu.wait_dma2 semaphore(%run_scoped3A_59 : memref<!tpu.dma_semaphore, #tpu.memory_space<semaphore_mem>>) src(%arg4 : memref<512x64xf32, #tpu.memory_space<hbm>>) dst(%arg6 : memref<512x64xf32, #tpu.memory_space<vmem>>)
      tpu.yield
    }) : () -> ()
    %run_scoped3A = arith.constant 0 : i32
    "tpu.region"() ({
      %run_scoped3A_59 = tpu.sem_alloc : memref<!tpu.dma_semaphore, #tpu.memory_space<semaphore_mem>>
      %dma_start3A_60 = arith.constant 0 : i32
      %dma_start3A_61 = arith.constant 0 : i32
      %dma_start3A_62 = tpu.memref_slice %arg7[%run_scoped3A, %dma_start3A_60, %dma_start3A_61] : memref<2x4x128xi32, #tpu.memory_space<vmem>> -> memref<1x4x128xi32, #tpu.memory_space<vmem>>
      %dma_start3A_63 = tpu.memref_squeeze %dma_start3A_62 : memref<1x4x128xi32, #tpu.memory_space<vmem>> -> memref<4x128xi32, #tpu.memory_space<vmem>>
      %dma_start3A_64 = arith.constant 0 : i32
      %dma_start3A_65 = arith.constant 0 : i32
      %dma_start3A_66 = tpu.memref_slice %arg2[%mul3A_2, %dma_start3A_64, %dma_start3A_65] : memref<1024x4x128xi32, #tpu.memory_space<hbm>> -> memref<1x4x128xi32, #tpu.memory_space<hbm>>
      %dma_start3A_67 = tpu.memref_squeeze %dma_start3A_66 : memref<1x4x128xi32, #tpu.memory_space<hbm>> -> memref<4x128xi32, #tpu.memory_space<hbm>>
      %dma_start3A_68 = arith.constant 0 : i32
      %dma_start3A_69 = arith.constant 0 : i32
      %dma_start3A_70 = tpu.memref_slice %arg7[%run_scoped3A, %dma_start3A_68, %dma_start3A_69] : memref<2x4x128xi32, #tpu.memory_space<vmem>> -> memref<1x4x128xi32, #tpu.memory_space<vmem>>
      %dma_start3A_71 = tpu.memref_squeeze %dma_start3A_70 : memref<1x4x128xi32, #tpu.memory_space<vmem>> -> memref<4x128xi32, #tpu.memory_space<vmem>>
      %dma_start3A_72 = arith.constant 0 : i32
      %dma_start3A_73 = arith.constant 0 : i32
      %dma_start3A_74 = tpu.memref_slice %arg2[%mul3A_2, %dma_start3A_72, %dma_start3A_73] : memref<1024x4x128xi32, #tpu.memory_space<hbm>> -> memref<1x4x128xi32, #tpu.memory_space<hbm>>
      %dma_start3A_75 = tpu.memref_squeeze %dma_start3A_74 : memref<1x4x128xi32, #tpu.memory_space<hbm>> -> memref<4x128xi32, #tpu.memory_space<hbm>>
      tpu.enqueue_dma source(%dma_start3A_75 : memref<4x128xi32, #tpu.memory_space<hbm>>) target(%dma_start3A_71 : memref<4x128xi32, #tpu.memory_space<vmem>>) target_semaphore(%run_scoped3A_59 : memref<!tpu.dma_semaphore, #tpu.memory_space<semaphore_mem>>)
      %dma_wait3A = arith.constant 0 : i32
      %dma_wait3A_76 = arith.constant 0 : i32
      %dma_wait3A_77 = tpu.memref_slice %arg7[%run_scoped3A, %dma_wait3A, %dma_wait3A_76] : memref<2x4x128xi32, #tpu.memory_space<vmem>> -> memref<1x4x128xi32, #tpu.memory_space<vmem>>
      %dma_wait3A_78 = tpu.memref_squeeze %dma_wait3A_77 : memref<1x4x128xi32, #tpu.memory_space<vmem>> -> memref<4x128xi32, #tpu.memory_space<vmem>>
      %dma_wait3A_79 = arith.constant 0 : i32
      %dma_wait3A_80 = arith.constant 0 : i32
      %dma_wait3A_81 = tpu.memref_slice %arg2[%mul3A_2, %dma_wait3A_79, %dma_wait3A_80] : memref<1024x4x128xi32, #tpu.memory_space<hbm>> -> memref<1x4x128xi32, #tpu.memory_space<hbm>>
      %dma_wait3A_82 = tpu.memref_squeeze %dma_wait3A_81 : memref<1x4x128xi32, #tpu.memory_space<hbm>> -> memref<4x128xi32, #tpu.memory_space<hbm>>
      %dma_wait3A_83 = arith.constant 0 : i32
      %dma_wait3A_84 = arith.constant 0 : i32
      %dma_wait3A_85 = tpu.memref_slice %arg7[%run_scoped3A, %dma_wait3A_83, %dma_wait3A_84] : memref<2x4x128xi32, #tpu.memory_space<vmem>> -> memref<1x4x128xi32, #tpu.memory_space<vmem>>
      %dma_wait3A_86 = tpu.memref_squeeze %dma_wait3A_85 : memref<1x4x128xi32, #tpu.memory_space<vmem>> -> memref<4x128xi32, #tpu.memory_space<vmem>>
      %dma_wait3A_87 = arith.constant 0 : i32
      %dma_wait3A_88 = arith.constant 0 : i32
      %dma_wait3A_89 = tpu.memref_slice %arg2[%mul3A_2, %dma_wait3A_87, %dma_wait3A_88] : memref<1024x4x128xi32, #tpu.memory_space<hbm>> -> memref<1x4x128xi32, #tpu.memory_space<hbm>>
      %dma_wait3A_90 = tpu.memref_squeeze %dma_wait3A_89 : memref<1x4x128xi32, #tpu.memory_space<hbm>> -> memref<4x128xi32, #tpu.memory_space<hbm>>
      tpu.wait_dma2 semaphore(%run_scoped3A_59 : memref<!tpu.dma_semaphore, #tpu.memory_space<semaphore_mem>>) src(%dma_wait3A_90 : memref<4x128xi32, #tpu.memory_space<hbm>>) dst(%dma_wait3A_86 : memref<4x128xi32, #tpu.memory_space<vmem>>)
      tpu.yield
    }) : () -> ()
    %dma_start3A = arith.constant 0 : i32
    %dma_start3A_3 = arith.constant 0 : i32
    %dma_start3A_4 = arith.constant 0 : i32
    %dma_start3A_5 = arith.constant 0 : i32
    %dma_start3A_6 = arith.constant 0 : i32
    %dma_start3A_7 = tpu.memref_slice %arg8[%dma_start3A_4, %dma_start3A_5, %dma_start3A_6] : memref<2x512x64xf32, #tpu.memory_space<vmem>> -> memref<1x128x64xf32, #tpu.memory_space<vmem>>
    %dma_start3A_8 = tpu.memref_squeeze %dma_start3A_7 : memref<1x128x64xf32, #tpu.memory_space<vmem>> -> memref<128x64xf32, #tpu.memory_space<vmem>>
    %dma_start3A_9 = arith.constant 0 : i32
    %dma_start3A_10 = tpu.memref_slice %arg7[%dma_start3A, %dma_start3A_3, %dma_start3A_9] : memref<2x4x128xi32, #tpu.memory_space<vmem>> -> memref<1x1x128xi32, #tpu.memory_space<vmem>>
    %dma_start3A_11 = tpu.memref_squeeze %dma_start3A_10 : memref<1x1x128xi32, #tpu.memory_space<vmem>> -> memref<128xi32, #tpu.memory_space<vmem>>
    %dma_start3A_12 = arith.constant 0 : i32
    %dma_start3A_13 = arith.constant 0 : i32
    %dma_start3A_14 = tpu.memref_slice %arg3[%dma_start3A_12, %dma_start3A_13] : memref<1000000x64xf32, #tpu.memory_space<hbm>> -> memref<1000000x64xf32, #tpu.memory_space<hbm>>
    tpu.enqueue_indirect_dma source(%dma_start3A_14 : memref<1000000x64xf32, #tpu.memory_space<hbm>>) target(%dma_start3A_8 : memref<128x64xf32, #tpu.memory_space<vmem>>) offsets(%dma_start3A_11 : memref<128xi32, #tpu.memory_space<vmem>>) semaphore(%arg9 : memref<!tpu.dma_semaphore, #tpu.memory_space<semaphore_mem>>)
    %dma_start3A_15 = arith.constant 0 : i32
    %dma_start3A_16 = arith.constant 1 : i32
    %dma_start3A_17 = arith.constant 0 : i32
    %dma_start3A_18 = arith.constant 128 : i32
    %dma_start3A_19 = arith.constant 0 : i32
    %dma_start3A_20 = tpu.memref_slice %arg8[%dma_start3A_17, %dma_start3A_18, %dma_start3A_19] : memref<2x512x64xf32, #tpu.memory_space<vmem>> -> memref<1x128x64xf32, #tpu.memory_space<vmem>>
    %dma_start3A_21 = tpu.memref_squeeze %dma_start3A_20 : memref<1x128x64xf32, #tpu.memory_space<vmem>> -> memref<128x64xf32, #tpu.memory_space<vmem>>
    %dma_start3A_22 = arith.constant 0 : i32
    %dma_start3A_23 = tpu.memref_slice %arg7[%dma_start3A_15, %dma_start3A_16, %dma_start3A_22] : memref<2x4x128xi32, #tpu.memory_space<vmem>> -> memref<1x1x128xi32, #tpu.memory_space<vmem>>
    %dma_start3A_24 = tpu.memref_squeeze %dma_start3A_23 : memref<1x1x128xi32, #tpu.memory_space<vmem>> -> memref<128xi32, #tpu.memory_space<vmem>>
    %dma_start3A_25 = arith.constant 0 : i32
    %dma_start3A_26 = arith.constant 0 : i32
    %dma_start3A_27 = tpu.memref_slice %arg3[%dma_start3A_25, %dma_start3A_26] : memref<1000000x64xf32, #tpu.memory_space<hbm>> -> memref<1000000x64xf32, #tpu.memory_space<hbm>>
    tpu.enqueue_indirect_dma source(%dma_start3A_27 : memref<1000000x64xf32, #tpu.memory_space<hbm>>) target(%dma_start3A_21 : memref<128x64xf32, #tpu.memory_space<vmem>>) offsets(%dma_start3A_24 : memref<128xi32, #tpu.memory_space<vmem>>) semaphore(%arg9 : memref<!tpu.dma_semaphore, #tpu.memory_space<semaphore_mem>>)
    %dma_start3A_28 = arith.constant 0 : i32
    %dma_start3A_29 = arith.constant 2 : i32
    %dma_start3A_30 = arith.constant 0 : i32
    %dma_start3A_31 = arith.constant 256 : i32
    %dma_start3A_32 = arith.constant 0 : i32
    %dma_start3A_33 = tpu.memref_slice %arg8[%dma_start3A_30, %dma_start3A_31, %dma_start3A_32] : memref<2x512x64xf32, #tpu.memory_space<vmem>> -> memref<1x128x64xf32, #tpu.memory_space<vmem>>
    %dma_start3A_34 = tpu.memref_squeeze %dma_start3A_33 : memref<1x128x64xf32, #tpu.memory_space<vmem>> -> memref<128x64xf32, #tpu.memory_space<vmem>>
    %dma_start3A_35 = arith.constant 0 : i32
    %dma_start3A_36 = tpu.memref_slice %arg7[%dma_start3A_28, %dma_start3A_29, %dma_start3A_35] : memref<2x4x128xi32, #tpu.memory_space<vmem>> -> memref<1x1x128xi32, #tpu.memory_space<vmem>>
    %dma_start3A_37 = tpu.memref_squeeze %dma_start3A_36 : memref<1x1x128xi32, #tpu.memory_space<vmem>> -> memref<128xi32, #tpu.memory_space<vmem>>
    %dma_start3A_38 = arith.constant 0 : i32
    %dma_start3A_39 = arith.constant 0 : i32
    %dma_start3A_40 = tpu.memref_slice %arg3[%dma_start3A_38, %dma_start3A_39] : memref<1000000x64xf32, #tpu.memory_space<hbm>> -> memref<1000000x64xf32, #tpu.memory_space<hbm>>
    tpu.enqueue_indirect_dma source(%dma_start3A_40 : memref<1000000x64xf32, #tpu.memory_space<hbm>>) target(%dma_start3A_34 : memref<128x64xf32, #tpu.memory_space<vmem>>) offsets(%dma_start3A_37 : memref<128xi32, #tpu.memory_space<vmem>>) semaphore(%arg9 : memref<!tpu.dma_semaphore, #tpu.memory_space<semaphore_mem>>)
    %dma_start3A_41 = arith.constant 0 : i32
    %dma_start3A_42 = arith.constant 3 : i32
    %dma_start3A_43 = arith.constant 0 : i32
    %dma_start3A_44 = arith.constant 384 : i32
    %dma_start3A_45 = arith.constant 0 : i32
    %dma_start3A_46 = tpu.memref_slice %arg8[%dma_start3A_43, %dma_start3A_44, %dma_start3A_45] : memref<2x512x64xf32, #tpu.memory_space<vmem>> -> memref<1x128x64xf32, #tpu.memory_space<vmem>>
    %dma_start3A_47 = tpu.memref_squeeze %dma_start3A_46 : memref<1x128x64xf32, #tpu.memory_space<vmem>> -> memref<128x64xf32, #tpu.memory_space<vmem>>
    %dma_start3A_48 = arith.constant 0 : i32
    %dma_start3A_49 = tpu.memref_slice %arg7[%dma_start3A_41, %dma_start3A_42, %dma_start3A_48] : memref<2x4x128xi32, #tpu.memory_space<vmem>> -> memref<1x1x128xi32, #tpu.memory_space<vmem>>
    %dma_start3A_50 = tpu.memref_squeeze %dma_start3A_49 : memref<1x1x128xi32, #tpu.memory_space<vmem>> -> memref<128xi32, #tpu.memory_space<vmem>>
    %dma_start3A_51 = arith.constant 0 : i32
    %dma_start3A_52 = arith.constant 0 : i32
    %dma_start3A_53 = tpu.memref_slice %arg3[%dma_start3A_51, %dma_start3A_52] : memref<1000000x64xf32, #tpu.memory_space<hbm>> -> memref<1000000x64xf32, #tpu.memory_space<hbm>>
    tpu.enqueue_indirect_dma source(%dma_start3A_53 : memref<1000000x64xf32, #tpu.memory_space<hbm>>) target(%dma_start3A_47 : memref<128x64xf32, #tpu.memory_space<vmem>>) offsets(%dma_start3A_50 : memref<128xi32, #tpu.memory_space<vmem>>) semaphore(%arg9 : memref<!tpu.dma_semaphore, #tpu.memory_space<semaphore_mem>>)
    %scan3A = arith.constant 0 : i32
    %scan3A_54 = arith.constant 0 : i32
    %scan3A_55 = arith.constant 16 : i32
    %scan3A_56 = arith.addi %scan3A_54, %scan3A_55 : i32
    %scan3A_57 = arith.constant 1 : i32
    scf.for %scan3A_59 = %scan3A_54 to %scan3A_56 step %scan3A_57  : i32 {
      %mul3A_60 = arith.constant 2 : i32
      %mul3A_61 = arith.muli %scan3A_59, %mul3A_60 : i32
      %add3A_62 = arith.addi %mul3A_2, %mul3A_61 : i32
      %add3A_63 = arith.constant 1 : i32
      %add3A_64 = arith.addi %add3A_62, %add3A_63 : i32
      %run_scoped3A_65 = arith.constant 1 : i32
      "tpu.region"() ({
        %run_scoped3A_238 = tpu.sem_alloc : memref<!tpu.dma_semaphore, #tpu.memory_space<semaphore_mem>>
        %dma_start3A_239 = arith.constant 0 : i32
        %dma_start3A_240 = arith.constant 0 : i32
        %dma_start3A_241 = tpu.memref_slice %arg7[%run_scoped3A_65, %dma_start3A_239, %dma_start3A_240] : memref<2x4x128xi32, #tpu.memory_space<vmem>> -> memref<1x4x128xi32, #tpu.memory_space<vmem>>
        %dma_start3A_242 = tpu.memref_squeeze %dma_start3A_241 : memref<1x4x128xi32, #tpu.memory_space<vmem>> -> memref<4x128xi32, #tpu.memory_space<vmem>>
        %dma_start3A_243 = arith.constant 0 : i32
        %dma_start3A_244 = arith.constant 0 : i32
        %dma_start3A_245 = tpu.memref_slice %arg2[%add3A_64, %dma_start3A_243, %dma_start3A_244] : memref<1024x4x128xi32, #tpu.memory_space<hbm>> -> memref<1x4x128xi32, #tpu.memory_space<hbm>>
        %dma_start3A_246 = tpu.memref_squeeze %dma_start3A_245 : memref<1x4x128xi32, #tpu.memory_space<hbm>> -> memref<4x128xi32, #tpu.memory_space<hbm>>
        %dma_start3A_247 = arith.constant 0 : i32
        %dma_start3A_248 = arith.constant 0 : i32
        %dma_start3A_249 = tpu.memref_slice %arg7[%run_scoped3A_65, %dma_start3A_247, %dma_start3A_248] : memref<2x4x128xi32, #tpu.memory_space<vmem>> -> memref<1x4x128xi32, #tpu.memory_space<vmem>>
        %dma_start3A_250 = tpu.memref_squeeze %dma_start3A_249 : memref<1x4x128xi32, #tpu.memory_space<vmem>> -> memref<4x128xi32, #tpu.memory_space<vmem>>
        %dma_start3A_251 = arith.constant 0 : i32
        %dma_start3A_252 = arith.constant 0 : i32
        %dma_start3A_253 = tpu.memref_slice %arg2[%add3A_64, %dma_start3A_251, %dma_start3A_252] : memref<1024x4x128xi32, #tpu.memory_space<hbm>> -> memref<1x4x128xi32, #tpu.memory_space<hbm>>
        %dma_start3A_254 = tpu.memref_squeeze %dma_start3A_253 : memref<1x4x128xi32, #tpu.memory_space<hbm>> -> memref<4x128xi32, #tpu.memory_space<hbm>>
        tpu.enqueue_dma source(%dma_start3A_254 : memref<4x128xi32, #tpu.memory_space<hbm>>) target(%dma_start3A_250 : memref<4x128xi32, #tpu.memory_space<vmem>>) target_semaphore(%run_scoped3A_238 : memref<!tpu.dma_semaphore, #tpu.memory_space<semaphore_mem>>)
        %dma_wait3A_255 = arith.constant 0 : i32
        %dma_wait3A_256 = arith.constant 0 : i32
        %dma_wait3A_257 = tpu.memref_slice %arg7[%run_scoped3A_65, %dma_wait3A_255, %dma_wait3A_256] : memref<2x4x128xi32, #tpu.memory_space<vmem>> -> memref<1x4x128xi32, #tpu.memory_space<vmem>>
        %dma_wait3A_258 = tpu.memref_squeeze %dma_wait3A_257 : memref<1x4x128xi32, #tpu.memory_space<vmem>> -> memref<4x128xi32, #tpu.memory_space<vmem>>
        %dma_wait3A_259 = arith.constant 0 : i32
        %dma_wait3A_260 = arith.constant 0 : i32
        %dma_wait3A_261 = tpu.memref_slice %arg2[%add3A_64, %dma_wait3A_259, %dma_wait3A_260] : memref<1024x4x128xi32, #tpu.memory_space<hbm>> -> memref<1x4x128xi32, #tpu.memory_space<hbm>>
        %dma_wait3A_262 = tpu.memref_squeeze %dma_wait3A_261 : memref<1x4x128xi32, #tpu.memory_space<hbm>> -> memref<4x128xi32, #tpu.memory_space<hbm>>
        %dma_wait3A_263 = arith.constant 0 : i32
        %dma_wait3A_264 = arith.constant 0 : i32
        %dma_wait3A_265 = tpu.memref_slice %arg7[%run_scoped3A_65, %dma_wait3A_263, %dma_wait3A_264] : memref<2x4x128xi32, #tpu.memory_space<vmem>> -> memref<1x4x128xi32, #tpu.memory_space<vmem>>
        %dma_wait3A_266 = tpu.memref_squeeze %dma_wait3A_265 : memref<1x4x128xi32, #tpu.memory_space<vmem>> -> memref<4x128xi32, #tpu.memory_space<vmem>>
        %dma_wait3A_267 = arith.constant 0 : i32
        %dma_wait3A_268 = arith.constant 0 : i32
        %dma_wait3A_269 = tpu.memref_slice %arg2[%add3A_64, %dma_wait3A_267, %dma_wait3A_268] : memref<1024x4x128xi32, #tpu.memory_space<hbm>> -> memref<1x4x128xi32, #tpu.memory_space<hbm>>
        %dma_wait3A_270 = tpu.memref_squeeze %dma_wait3A_269 : memref<1x4x128xi32, #tpu.memory_space<hbm>> -> memref<4x128xi32, #tpu.memory_space<hbm>>
        tpu.wait_dma2 semaphore(%run_scoped3A_238 : memref<!tpu.dma_semaphore, #tpu.memory_space<semaphore_mem>>) src(%dma_wait3A_270 : memref<4x128xi32, #tpu.memory_space<hbm>>) dst(%dma_wait3A_266 : memref<4x128xi32, #tpu.memory_space<vmem>>)
        tpu.yield
      }) : () -> ()
      %dma_start3A_66 = arith.constant 1 : i32
      %dma_start3A_67 = arith.constant 0 : i32
      %dma_start3A_68 = arith.constant 1 : i32
      %dma_start3A_69 = arith.constant 0 : i32
      %dma_start3A_70 = arith.constant 0 : i32
      %dma_start3A_71 = tpu.memref_slice %arg8[%dma_start3A_68, %dma_start3A_69, %dma_start3A_70] : memref<2x512x64xf32, #tpu.memory_space<vmem>> -> memref<1x128x64xf32, #tpu.memory_space<vmem>>
      %dma_start3A_72 = tpu.memref_squeeze %dma_start3A_71 : memref<1x128x64xf32, #tpu.memory_space<vmem>> -> memref<128x64xf32, #tpu.memory_space<vmem>>
      %dma_start3A_73 = arith.constant 0 : i32
      %dma_start3A_74 = tpu.memref_slice %arg7[%dma_start3A_66, %dma_start3A_67, %dma_start3A_73] : memref<2x4x128xi32, #tpu.memory_space<vmem>> -> memref<1x1x128xi32, #tpu.memory_space<vmem>>
      %dma_start3A_75 = tpu.memref_squeeze %dma_start3A_74 : memref<1x1x128xi32, #tpu.memory_space<vmem>> -> memref<128xi32, #tpu.memory_space<vmem>>
      %dma_start3A_76 = arith.constant 0 : i32
      %dma_start3A_77 = arith.constant 0 : i32
      %dma_start3A_78 = tpu.memref_slice %arg3[%dma_start3A_76, %dma_start3A_77] : memref<1000000x64xf32, #tpu.memory_space<hbm>> -> memref<1000000x64xf32, #tpu.memory_space<hbm>>
      tpu.enqueue_indirect_dma source(%dma_start3A_78 : memref<1000000x64xf32, #tpu.memory_space<hbm>>) target(%dma_start3A_72 : memref<128x64xf32, #tpu.memory_space<vmem>>) offsets(%dma_start3A_75 : memref<128xi32, #tpu.memory_space<vmem>>) semaphore(%arg10 : memref<!tpu.dma_semaphore, #tpu.memory_space<semaphore_mem>>)
      %dma_start3A_79 = arith.constant 1 : i32
      %dma_start3A_80 = arith.constant 1 : i32
      %dma_start3A_81 = arith.constant 1 : i32
      %dma_start3A_82 = arith.constant 128 : i32
      %dma_start3A_83 = arith.constant 0 : i32
      %dma_start3A_84 = tpu.memref_slice %arg8[%dma_start3A_81, %dma_start3A_82, %dma_start3A_83] : memref<2x512x64xf32, #tpu.memory_space<vmem>> -> memref<1x128x64xf32, #tpu.memory_space<vmem>>
      %dma_start3A_85 = tpu.memref_squeeze %dma_start3A_84 : memref<1x128x64xf32, #tpu.memory_space<vmem>> -> memref<128x64xf32, #tpu.memory_space<vmem>>
      %dma_start3A_86 = arith.constant 0 : i32
      %dma_start3A_87 = tpu.memref_slice %arg7[%dma_start3A_79, %dma_start3A_80, %dma_start3A_86] : memref<2x4x128xi32, #tpu.memory_space<vmem>> -> memref<1x1x128xi32, #tpu.memory_space<vmem>>
      %dma_start3A_88 = tpu.memref_squeeze %dma_start3A_87 : memref<1x1x128xi32, #tpu.memory_space<vmem>> -> memref<128xi32, #tpu.memory_space<vmem>>
      %dma_start3A_89 = arith.constant 0 : i32
      %dma_start3A_90 = arith.constant 0 : i32
      %dma_start3A_91 = tpu.memref_slice %arg3[%dma_start3A_89, %dma_start3A_90] : memref<1000000x64xf32, #tpu.memory_space<hbm>> -> memref<1000000x64xf32, #tpu.memory_space<hbm>>
      tpu.enqueue_indirect_dma source(%dma_start3A_91 : memref<1000000x64xf32, #tpu.memory_space<hbm>>) target(%dma_start3A_85 : memref<128x64xf32, #tpu.memory_space<vmem>>) offsets(%dma_start3A_88 : memref<128xi32, #tpu.memory_space<vmem>>) semaphore(%arg10 : memref<!tpu.dma_semaphore, #tpu.memory_space<semaphore_mem>>)
      %dma_start3A_92 = arith.constant 1 : i32
      %dma_start3A_93 = arith.constant 2 : i32
      %dma_start3A_94 = arith.constant 1 : i32
      %dma_start3A_95 = arith.constant 256 : i32
      %dma_start3A_96 = arith.constant 0 : i32
      %dma_start3A_97 = tpu.memref_slice %arg8[%dma_start3A_94, %dma_start3A_95, %dma_start3A_96] : memref<2x512x64xf32, #tpu.memory_space<vmem>> -> memref<1x128x64xf32, #tpu.memory_space<vmem>>
      %dma_start3A_98 = tpu.memref_squeeze %dma_start3A_97 : memref<1x128x64xf32, #tpu.memory_space<vmem>> -> memref<128x64xf32, #tpu.memory_space<vmem>>
      %dma_start3A_99 = arith.constant 0 : i32
      %dma_start3A_100 = tpu.memref_slice %arg7[%dma_start3A_92, %dma_start3A_93, %dma_start3A_99] : memref<2x4x128xi32, #tpu.memory_space<vmem>> -> memref<1x1x128xi32, #tpu.memory_space<vmem>>
      %dma_start3A_101 = tpu.memref_squeeze %dma_start3A_100 : memref<1x1x128xi32, #tpu.memory_space<vmem>> -> memref<128xi32, #tpu.memory_space<vmem>>
      %dma_start3A_102 = arith.constant 0 : i32
      %dma_start3A_103 = arith.constant 0 : i32
      %dma_start3A_104 = tpu.memref_slice %arg3[%dma_start3A_102, %dma_start3A_103] : memref<1000000x64xf32, #tpu.memory_space<hbm>> -> memref<1000000x64xf32, #tpu.memory_space<hbm>>
      tpu.enqueue_indirect_dma source(%dma_start3A_104 : memref<1000000x64xf32, #tpu.memory_space<hbm>>) target(%dma_start3A_98 : memref<128x64xf32, #tpu.memory_space<vmem>>) offsets(%dma_start3A_101 : memref<128xi32, #tpu.memory_space<vmem>>) semaphore(%arg10 : memref<!tpu.dma_semaphore, #tpu.memory_space<semaphore_mem>>)
      %dma_start3A_105 = arith.constant 1 : i32
      %dma_start3A_106 = arith.constant 3 : i32
      %dma_start3A_107 = arith.constant 1 : i32
      %dma_start3A_108 = arith.constant 384 : i32
      %dma_start3A_109 = arith.constant 0 : i32
      %dma_start3A_110 = tpu.memref_slice %arg8[%dma_start3A_107, %dma_start3A_108, %dma_start3A_109] : memref<2x512x64xf32, #tpu.memory_space<vmem>> -> memref<1x128x64xf32, #tpu.memory_space<vmem>>
      %dma_start3A_111 = tpu.memref_squeeze %dma_start3A_110 : memref<1x128x64xf32, #tpu.memory_space<vmem>> -> memref<128x64xf32, #tpu.memory_space<vmem>>
      %dma_start3A_112 = arith.constant 0 : i32
      %dma_start3A_113 = tpu.memref_slice %arg7[%dma_start3A_105, %dma_start3A_106, %dma_start3A_112] : memref<2x4x128xi32, #tpu.memory_space<vmem>> -> memref<1x1x128xi32, #tpu.memory_space<vmem>>
      %dma_start3A_114 = tpu.memref_squeeze %dma_start3A_113 : memref<1x1x128xi32, #tpu.memory_space<vmem>> -> memref<128xi32, #tpu.memory_space<vmem>>
      %dma_start3A_115 = arith.constant 0 : i32
      %dma_start3A_116 = arith.constant 0 : i32
      %dma_start3A_117 = tpu.memref_slice %arg3[%dma_start3A_115, %dma_start3A_116] : memref<1000000x64xf32, #tpu.memory_space<hbm>> -> memref<1000000x64xf32, #tpu.memory_space<hbm>>
      tpu.enqueue_indirect_dma source(%dma_start3A_117 : memref<1000000x64xf32, #tpu.memory_space<hbm>>) target(%dma_start3A_111 : memref<128x64xf32, #tpu.memory_space<vmem>>) offsets(%dma_start3A_114 : memref<128xi32, #tpu.memory_space<vmem>>) semaphore(%arg10 : memref<!tpu.dma_semaphore, #tpu.memory_space<semaphore_mem>>)
      %dma_wait3A = arith.constant 0 : i32
      %dma_wait3A_118 = arith.constant 0 : i32
      %dma_wait3A_119 = arith.constant 0 : i32
      %dma_wait3A_120 = arith.constant 0 : i32
      %dma_wait3A_121 = arith.constant 0 : i32
      %dma_wait3A_122 = tpu.memref_slice %arg8[%dma_wait3A_119, %dma_wait3A_120, %dma_wait3A_121] : memref<2x512x64xf32, #tpu.memory_space<vmem>> -> memref<1x128x64xf32, #tpu.memory_space<vmem>>
      %dma_wait3A_123 = tpu.memref_squeeze %dma_wait3A_122 : memref<1x128x64xf32, #tpu.memory_space<vmem>> -> memref<128x64xf32, #tpu.memory_space<vmem>>
      %dma_wait3A_124 = arith.constant 0 : i32
      %dma_wait3A_125 = tpu.memref_slice %arg7[%dma_wait3A, %dma_wait3A_118, %dma_wait3A_124] : memref<2x4x128xi32, #tpu.memory_space<vmem>> -> memref<1x1x128xi32, #tpu.memory_space<vmem>>
      %dma_wait3A_126 = tpu.memref_squeeze %dma_wait3A_125 : memref<1x1x128xi32, #tpu.memory_space<vmem>> -> memref<128xi32, #tpu.memory_space<vmem>>
      %dma_wait3A_127 = arith.constant 0 : i32
      %dma_wait3A_128 = arith.constant 0 : i32
      %dma_wait3A_129 = tpu.memref_slice %arg3[%dma_wait3A_127, %dma_wait3A_128] : memref<1000000x64xf32, #tpu.memory_space<hbm>> -> memref<1000000x64xf32, #tpu.memory_space<hbm>>
      tpu.wait_indirect_dma semaphore(%arg9 : memref<!tpu.dma_semaphore, #tpu.memory_space<semaphore_mem>>) src(%dma_wait3A_129 : memref<1000000x64xf32, #tpu.memory_space<hbm>>) dst(%dma_wait3A_123 : memref<128x64xf32, #tpu.memory_space<vmem>>)
      %dma_wait3A_130 = arith.constant 0 : i32
      %dma_wait3A_131 = arith.constant 1 : i32
      %dma_wait3A_132 = arith.constant 0 : i32
      %dma_wait3A_133 = arith.constant 128 : i32
      %dma_wait3A_134 = arith.constant 0 : i32
      %dma_wait3A_135 = tpu.memref_slice %arg8[%dma_wait3A_132, %dma_wait3A_133, %dma_wait3A_134] : memref<2x512x64xf32, #tpu.memory_space<vmem>> -> memref<1x128x64xf32, #tpu.memory_space<vmem>>
      %dma_wait3A_136 = tpu.memref_squeeze %dma_wait3A_135 : memref<1x128x64xf32, #tpu.memory_space<vmem>> -> memref<128x64xf32, #tpu.memory_space<vmem>>
      %dma_wait3A_137 = arith.constant 0 : i32
      %dma_wait3A_138 = tpu.memref_slice %arg7[%dma_wait3A_130, %dma_wait3A_131, %dma_wait3A_137] : memref<2x4x128xi32, #tpu.memory_space<vmem>> -> memref<1x1x128xi32, #tpu.memory_space<vmem>>
      %dma_wait3A_139 = tpu.memref_squeeze %dma_wait3A_138 : memref<1x1x128xi32, #tpu.memory_space<vmem>> -> memref<128xi32, #tpu.memory_space<vmem>>
      %dma_wait3A_140 = arith.constant 0 : i32
      %dma_wait3A_141 = arith.constant 0 : i32
      %dma_wait3A_142 = tpu.memref_slice %arg3[%dma_wait3A_140, %dma_wait3A_141] : memref<1000000x64xf32, #tpu.memory_space<hbm>> -> memref<1000000x64xf32, #tpu.memory_space<hbm>>
      tpu.wait_indirect_dma semaphore(%arg9 : memref<!tpu.dma_semaphore, #tpu.memory_space<semaphore_mem>>) src(%dma_wait3A_142 : memref<1000000x64xf32, #tpu.memory_space<hbm>>) dst(%dma_wait3A_136 : memref<128x64xf32, #tpu.memory_space<vmem>>)
      %dma_wait3A_143 = arith.constant 0 : i32
      %dma_wait3A_144 = arith.constant 2 : i32
      %dma_wait3A_145 = arith.constant 0 : i32
      %dma_wait3A_146 = arith.constant 256 : i32
      %dma_wait3A_147 = arith.constant 0 : i32
      %dma_wait3A_148 = tpu.memref_slice %arg8[%dma_wait3A_145, %dma_wait3A_146, %dma_wait3A_147] : memref<2x512x64xf32, #tpu.memory_space<vmem>> -> memref<1x128x64xf32, #tpu.memory_space<vmem>>
      %dma_wait3A_149 = tpu.memref_squeeze %dma_wait3A_148 : memref<1x128x64xf32, #tpu.memory_space<vmem>> -> memref<128x64xf32, #tpu.memory_space<vmem>>
      %dma_wait3A_150 = arith.constant 0 : i32
      %dma_wait3A_151 = tpu.memref_slice %arg7[%dma_wait3A_143, %dma_wait3A_144, %dma_wait3A_150] : memref<2x4x128xi32, #tpu.memory_space<vmem>> -> memref<1x1x128xi32, #tpu.memory_space<vmem>>
      %dma_wait3A_152 = tpu.memref_squeeze %dma_wait3A_151 : memref<1x1x128xi32, #tpu.memory_space<vmem>> -> memref<128xi32, #tpu.memory_space<vmem>>
      %dma_wait3A_153 = arith.constant 0 : i32
      %dma_wait3A_154 = arith.constant 0 : i32
      %dma_wait3A_155 = tpu.memref_slice %arg3[%dma_wait3A_153, %dma_wait3A_154] : memref<1000000x64xf32, #tpu.memory_space<hbm>> -> memref<1000000x64xf32, #tpu.memory_space<hbm>>
      tpu.wait_indirect_dma semaphore(%arg9 : memref<!tpu.dma_semaphore, #tpu.memory_space<semaphore_mem>>) src(%dma_wait3A_155 : memref<1000000x64xf32, #tpu.memory_space<hbm>>) dst(%dma_wait3A_149 : memref<128x64xf32, #tpu.memory_space<vmem>>)
      %dma_wait3A_156 = arith.constant 0 : i32
      %dma_wait3A_157 = arith.constant 3 : i32
      %dma_wait3A_158 = arith.constant 0 : i32
      %dma_wait3A_159 = arith.constant 384 : i32
      %dma_wait3A_160 = arith.constant 0 : i32
      %dma_wait3A_161 = tpu.memref_slice %arg8[%dma_wait3A_158, %dma_wait3A_159, %dma_wait3A_160] : memref<2x512x64xf32, #tpu.memory_space<vmem>> -> memref<1x128x64xf32, #tpu.memory_space<vmem>>
      %dma_wait3A_162 = tpu.memref_squeeze %dma_wait3A_161 : memref<1x128x64xf32, #tpu.memory_space<vmem>> -> memref<128x64xf32, #tpu.memory_space<vmem>>
      %dma_wait3A_163 = arith.constant 0 : i32
      %dma_wait3A_164 = tpu.memref_slice %arg7[%dma_wait3A_156, %dma_wait3A_157, %dma_wait3A_163] : memref<2x4x128xi32, #tpu.memory_space<vmem>> -> memref<1x1x128xi32, #tpu.memory_space<vmem>>
      %dma_wait3A_165 = tpu.memref_squeeze %dma_wait3A_164 : memref<1x1x128xi32, #tpu.memory_space<vmem>> -> memref<128xi32, #tpu.memory_space<vmem>>
      %dma_wait3A_166 = arith.constant 0 : i32
      %dma_wait3A_167 = arith.constant 0 : i32
      %dma_wait3A_168 = tpu.memref_slice %arg3[%dma_wait3A_166, %dma_wait3A_167] : memref<1000000x64xf32, #tpu.memory_space<hbm>> -> memref<1000000x64xf32, #tpu.memory_space<hbm>>
      tpu.wait_indirect_dma semaphore(%arg9 : memref<!tpu.dma_semaphore, #tpu.memory_space<semaphore_mem>>) src(%dma_wait3A_168 : memref<1000000x64xf32, #tpu.memory_space<hbm>>) dst(%dma_wait3A_162 : memref<128x64xf32, #tpu.memory_space<vmem>>)
      %parallel_loop3A = arith.constant 0 : i32
      %parallel_loop3A_169 = arith.constant 512 : i32
      %parallel_loop3A_170 = arith.constant 1 : i32
      %parallel_loop3A_171 = arith.constant 0 : i32
      scf.for %parallel_loop3A_238 = %parallel_loop3A to %parallel_loop3A_169 step %parallel_loop3A_170  : i32 {
        %parallel_loop3A_239 = arith.constant 0 : i32
        %parallel_loop3A_240 = arith.constant 0 : i32
        %parallel_loop3A_241 = tpu.memref_slice %arg8[%parallel_loop3A_171, %parallel_loop3A_239, %parallel_loop3A_240] : memref<2x512x64xf32, #tpu.memory_space<vmem>> -> memref<1x512x64xf32, #tpu.memory_space<vmem>>
        %parallel_loop3A_242 = tpu.memref_squeeze %parallel_loop3A_241 : memref<1x512x64xf32, #tpu.memory_space<vmem>> -> memref<512x64xf32, #tpu.memory_space<vmem>>
        %parallel_loop3A_243 = arith.index_cast %parallel_loop3A_238 : i32 to index
        %parallel_loop3A_244 = arith.constant 0 : index
        %parallel_loop3A_245 = tpu.vector_load %parallel_loop3A_242[%parallel_loop3A_243, %parallel_loop3A_244] {strides = array<i32>} : memref<512x64xf32, #tpu.memory_space<vmem>>, vector<1x16xf32>,
        %parallel_loop3A_246 = vector.shape_cast %parallel_loop3A_245 : vector<1x16xf32> to vector<16xf32>
        %parallel_loop3A_247 = arith.index_cast %parallel_loop3A_238 : i32 to index
        %parallel_loop3A_248 = arith.constant 0 : index
        %parallel_loop3A_249 = tpu.vector_load %arg6[%parallel_loop3A_247, %parallel_loop3A_248] {strides = array<i32>} : memref<512x64xf32, #tpu.memory_space<vmem>>, vector<1x16xf32>,
        %parallel_loop3A_250 = vector.shape_cast %parallel_loop3A_249 : vector<1x16xf32> to vector<16xf32>
        %parallel_loop3A_251 = arith.addf %parallel_loop3A_246, %parallel_loop3A_250 : vector<16xf32>
        %parallel_loop3A_252 = arith.constant 0 : i32
        %parallel_loop3A_253 = arith.constant 0 : i32
        %parallel_loop3A_254 = tpu.memref_slice %arg8[%parallel_loop3A_171, %parallel_loop3A_252, %parallel_loop3A_253] : memref<2x512x64xf32, #tpu.memory_space<vmem>> -> memref<1x512x64xf32, #tpu.memory_space<vmem>>
        %parallel_loop3A_255 = tpu.memref_squeeze %parallel_loop3A_254 : memref<1x512x64xf32, #tpu.memory_space<vmem>> -> memref<512x64xf32, #tpu.memory_space<vmem>>
        %parallel_loop3A_256 = arith.index_cast %parallel_loop3A_238 : i32 to index
        %parallel_loop3A_257 = arith.constant 0 : index
        %parallel_loop3A_258 = tpu.vector_load %parallel_loop3A_255[%parallel_loop3A_256, %parallel_loop3A_257] {strides = array<i32>} : memref<512x64xf32, #tpu.memory_space<vmem>>, vector<1x16xf32>,
        %parallel_loop3A_259 = vector.shape_cast %parallel_loop3A_258 : vector<1x16xf32> to vector<16xf32>
        %parallel_loop3A_260 = vector.shape_cast %parallel_loop3A_251 : vector<16xf32> to vector<1x16xf32>
        tpu.vector_store %parallel_loop3A_255[%parallel_loop3A_256, %parallel_loop3A_257], %parallel_loop3A_260 {strides = array<i32>} : memref<512x64xf32, #tpu.memory_space<vmem>>, vector<1x16xf32>,
        %parallel_loop3A_261 = arith.constant 0 : i32
        %parallel_loop3A_262 = arith.constant 0 : i32
        %parallel_loop3A_263 = tpu.memref_slice %arg8[%parallel_loop3A_171, %parallel_loop3A_261, %parallel_loop3A_262] : memref<2x512x64xf32, #tpu.memory_space<vmem>> -> memref<1x512x64xf32, #tpu.memory_space<vmem>>
        %parallel_loop3A_264 = tpu.memref_squeeze %parallel_loop3A_263 : memref<1x512x64xf32, #tpu.memory_space<vmem>> -> memref<512x64xf32, #tpu.memory_space<vmem>>
        %parallel_loop3A_265 = arith.index_cast %parallel_loop3A_238 : i32 to index
        %parallel_loop3A_266 = arith.constant 16 : index
        %parallel_loop3A_267 = tpu.vector_load %parallel_loop3A_264[%parallel_loop3A_265, %parallel_loop3A_266] {strides = array<i32>} : memref<512x64xf32, #tpu.memory_space<vmem>>, vector<1x16xf32>,
        %parallel_loop3A_268 = vector.shape_cast %parallel_loop3A_267 : vector<1x16xf32> to vector<16xf32>
        %parallel_loop3A_269 = arith.index_cast %parallel_loop3A_238 : i32 to index
        %parallel_loop3A_270 = arith.constant 16 : index
        %parallel_loop3A_271 = tpu.vector_load %arg6[%parallel_loop3A_269, %parallel_loop3A_270] {strides = array<i32>} : memref<512x64xf32, #tpu.memory_space<vmem>>, vector<1x16xf32>,
        %parallel_loop3A_272 = vector.shape_cast %parallel_loop3A_271 : vector<1x16xf32> to vector<16xf32>
        %parallel_loop3A_273 = arith.addf %parallel_loop3A_268, %parallel_loop3A_272 : vector<16xf32>
        %parallel_loop3A_274 = arith.constant 0 : i32
        %parallel_loop3A_275 = arith.constant 0 : i32
        %parallel_loop3A_276 = tpu.memref_slice %arg8[%parallel_loop3A_171, %parallel_loop3A_274, %parallel_loop3A_275] : memref<2x512x64xf32, #tpu.memory_space<vmem>> -> memref<1x512x64xf32, #tpu.memory_space<vmem>>
        %parallel_loop3A_277 = tpu.memref_squeeze %parallel_loop3A_276 : memref<1x512x64xf32, #tpu.memory_space<vmem>> -> memref<512x64xf32, #tpu.memory_space<vmem>>
        %parallel_loop3A_278 = arith.index_cast %parallel_loop3A_238 : i32 to index
        %parallel_loop3A_279 = arith.constant 16 : index
        %parallel_loop3A_280 = tpu.vector_load %parallel_loop3A_277[%parallel_loop3A_278, %parallel_loop3A_279] {strides = array<i32>} : memref<512x64xf32, #tpu.memory_space<vmem>>, vector<1x16xf32>,
        %parallel_loop3A_281 = vector.shape_cast %parallel_loop3A_280 : vector<1x16xf32> to vector<16xf32>
        %parallel_loop3A_282 = vector.shape_cast %parallel_loop3A_273 : vector<16xf32> to vector<1x16xf32>
        tpu.vector_store %parallel_loop3A_277[%parallel_loop3A_278, %parallel_loop3A_279], %parallel_loop3A_282 {strides = array<i32>} : memref<512x64xf32, #tpu.memory_space<vmem>>, vector<1x16xf32>,
        %parallel_loop3A_283 = arith.constant 0 : i32
        %parallel_loop3A_284 = arith.constant 0 : i32
        %parallel_loop3A_285 = tpu.memref_slice %arg8[%parallel_loop3A_171, %parallel_loop3A_283, %parallel_loop3A_284] : memref<2x512x64xf32, #tpu.memory_space<vmem>> -> memref<1x512x64xf32, #tpu.memory_space<vmem>>
        %parallel_loop3A_286 = tpu.memref_squeeze %parallel_loop3A_285 : memref<1x512x64xf32, #tpu.memory_space<vmem>> -> memref<512x64xf32, #tpu.memory_space<vmem>>
        %parallel_loop3A_287 = arith.index_cast %parallel_loop3A_238 : i32 to index
        %parallel_loop3A_288 = arith.constant 32 : index
        %parallel_loop3A_289 = tpu.vector_load %parallel_loop3A_286[%parallel_loop3A_287, %parallel_loop3A_288] {strides = array<i32>} : memref<512x64xf32, #tpu.memory_space<vmem>>, vector<1x16xf32>,
        %parallel_loop3A_290 = vector.shape_cast %parallel_loop3A_289 : vector<1x16xf32> to vector<16xf32>
        %parallel_loop3A_291 = arith.index_cast %parallel_loop3A_238 : i32 to index
        %parallel_loop3A_292 = arith.constant 32 : index
        %parallel_loop3A_293 = tpu.vector_load %arg6[%parallel_loop3A_291, %parallel_loop3A_292] {strides = array<i32>} : memref<512x64xf32, #tpu.memory_space<vmem>>, vector<1x16xf32>,
        %parallel_loop3A_294 = vector.shape_cast %parallel_loop3A_293 : vector<1x16xf32> to vector<16xf32>
        %parallel_loop3A_295 = arith.addf %parallel_loop3A_290, %parallel_loop3A_294 : vector<16xf32>
        %parallel_loop3A_296 = arith.constant 0 : i32
        %parallel_loop3A_297 = arith.constant 0 : i32
        %parallel_loop3A_298 = tpu.memref_slice %arg8[%parallel_loop3A_171, %parallel_loop3A_296, %parallel_loop3A_297] : memref<2x512x64xf32, #tpu.memory_space<vmem>> -> memref<1x512x64xf32, #tpu.memory_space<vmem>>
        %parallel_loop3A_299 = tpu.memref_squeeze %parallel_loop3A_298 : memref<1x512x64xf32, #tpu.memory_space<vmem>> -> memref<512x64xf32, #tpu.memory_space<vmem>>
        %parallel_loop3A_300 = arith.index_cast %parallel_loop3A_238 : i32 to index
        %parallel_loop3A_301 = arith.constant 32 : index
        %parallel_loop3A_302 = tpu.vector_load %parallel_loop3A_299[%parallel_loop3A_300, %parallel_loop3A_301] {strides = array<i32>} : memref<512x64xf32, #tpu.memory_space<vmem>>, vector<1x16xf32>,
        %parallel_loop3A_303 = vector.shape_cast %parallel_loop3A_302 : vector<1x16xf32> to vector<16xf32>
        %parallel_loop3A_304 = vector.shape_cast %parallel_loop3A_295 : vector<16xf32> to vector<1x16xf32>
        tpu.vector_store %parallel_loop3A_299[%parallel_loop3A_300, %parallel_loop3A_301], %parallel_loop3A_304 {strides = array<i32>} : memref<512x64xf32, #tpu.memory_space<vmem>>, vector<1x16xf32>,
        %parallel_loop3A_305 = arith.constant 0 : i32
        %parallel_loop3A_306 = arith.constant 0 : i32
        %parallel_loop3A_307 = tpu.memref_slice %arg8[%parallel_loop3A_171, %parallel_loop3A_305, %parallel_loop3A_306] : memref<2x512x64xf32, #tpu.memory_space<vmem>> -> memref<1x512x64xf32, #tpu.memory_space<vmem>>
        %parallel_loop3A_308 = tpu.memref_squeeze %parallel_loop3A_307 : memref<1x512x64xf32, #tpu.memory_space<vmem>> -> memref<512x64xf32, #tpu.memory_space<vmem>>
        %parallel_loop3A_309 = arith.index_cast %parallel_loop3A_238 : i32 to index
        %parallel_loop3A_310 = arith.constant 48 : index
        %parallel_loop3A_311 = tpu.vector_load %parallel_loop3A_308[%parallel_loop3A_309, %parallel_loop3A_310] {strides = array<i32>} : memref<512x64xf32, #tpu.memory_space<vmem>>, vector<1x16xf32>,
        %parallel_loop3A_312 = vector.shape_cast %parallel_loop3A_311 : vector<1x16xf32> to vector<16xf32>
        %parallel_loop3A_313 = arith.index_cast %parallel_loop3A_238 : i32 to index
        %parallel_loop3A_314 = arith.constant 48 : index
        %parallel_loop3A_315 = tpu.vector_load %arg6[%parallel_loop3A_313, %parallel_loop3A_314] {strides = array<i32>} : memref<512x64xf32, #tpu.memory_space<vmem>>, vector<1x16xf32>,
        %parallel_loop3A_316 = vector.shape_cast %parallel_loop3A_315 : vector<1x16xf32> to vector<16xf32>
        %parallel_loop3A_317 = arith.addf %parallel_loop3A_312, %parallel_loop3A_316 : vector<16xf32>
        %parallel_loop3A_318 = arith.constant 0 : i32
        %parallel_loop3A_319 = arith.constant 0 : i32
        %parallel_loop3A_320 = tpu.memref_slice %arg8[%parallel_loop3A_171, %parallel_loop3A_318, %parallel_loop3A_319] : memref<2x512x64xf32, #tpu.memory_space<vmem>> -> memref<1x512x64xf32, #tpu.memory_space<vmem>>
        %parallel_loop3A_321 = tpu.memref_squeeze %parallel_loop3A_320 : memref<1x512x64xf32, #tpu.memory_space<vmem>> -> memref<512x64xf32, #tpu.memory_space<vmem>>
        %parallel_loop3A_322 = arith.index_cast %parallel_loop3A_238 : i32 to index
        %parallel_loop3A_323 = arith.constant 48 : index
        %parallel_loop3A_324 = tpu.vector_load %parallel_loop3A_321[%parallel_loop3A_322, %parallel_loop3A_323] {strides = array<i32>} : memref<512x64xf32, #tpu.memory_space<vmem>>, vector<1x16xf32>,
        %parallel_loop3A_325 = vector.shape_cast %parallel_loop3A_324 : vector<1x16xf32> to vector<16xf32>
        %parallel_loop3A_326 = vector.shape_cast %parallel_loop3A_317 : vector<16xf32> to vector<1x16xf32>
        tpu.vector_store %parallel_loop3A_321[%parallel_loop3A_322, %parallel_loop3A_323], %parallel_loop3A_326 {strides = array<i32>} : memref<512x64xf32, #tpu.memory_space<vmem>>, vector<1x16xf32>,
      } {sc.loop_unroll_factor = 4 : i64, sc.parallel_access}
      %run_scoped3A_172 = arith.constant 0 : i32
      "tpu.region"() ({
        %run_scoped3A_238 = tpu.sem_alloc : memref<!tpu.dma_semaphore, #tpu.memory_space<semaphore_mem>>
        %dma_start3A_239 = arith.constant 0 : i32
        %dma_start3A_240 = arith.constant 0 : i32
        %dma_start3A_241 = tpu.memref_slice %arg8[%run_scoped3A_172, %dma_start3A_239, %dma_start3A_240] : memref<2x512x64xf32, #tpu.memory_space<vmem>> -> memref<1x512x64xf32, #tpu.memory_space<vmem>>
        %dma_start3A_242 = tpu.memref_squeeze %dma_start3A_241 : memref<1x512x64xf32, #tpu.memory_space<vmem>> -> memref<512x64xf32, #tpu.memory_space<vmem>>
        %dma_start3A_243 = arith.constant 0 : i32
        %dma_start3A_244 = arith.constant 0 : i32
        %dma_start3A_245 = tpu.memref_slice %arg5[%add3A_62, %dma_start3A_243, %dma_start3A_244] : memref<1024x512x64xf32, #tpu.memory_space<hbm>> -> memref<1x512x64xf32, #tpu.memory_space<hbm>>
        %dma_start3A_246 = tpu.memref_squeeze %dma_start3A_245 : memref<1x512x64xf32, #tpu.memory_space<hbm>> -> memref<512x64xf32, #tpu.memory_space<hbm>>
        %dma_start3A_247 = arith.constant 0 : i32
        %dma_start3A_248 = arith.constant 0 : i32
        %dma_start3A_249 = tpu.memref_slice %arg5[%add3A_62, %dma_start3A_247, %dma_start3A_248] : memref<1024x512x64xf32, #tpu.memory_space<hbm>> -> memref<1x512x64xf32, #tpu.memory_space<hbm>>
        %dma_start3A_250 = tpu.memref_squeeze %dma_start3A_249 : memref<1x512x64xf32, #tpu.memory_space<hbm>> -> memref<512x64xf32, #tpu.memory_space<hbm>>
        %dma_start3A_251 = arith.constant 0 : i32
        %dma_start3A_252 = arith.constant 0 : i32
        %dma_start3A_253 = tpu.memref_slice %arg8[%run_scoped3A_172, %dma_start3A_251, %dma_start3A_252] : memref<2x512x64xf32, #tpu.memory_space<vmem>> -> memref<1x512x64xf32, #tpu.memory_space<vmem>>
        %dma_start3A_254 = tpu.memref_squeeze %dma_start3A_253 : memref<1x512x64xf32, #tpu.memory_space<vmem>> -> memref<512x64xf32, #tpu.memory_space<vmem>>
        tpu.enqueue_dma source(%dma_start3A_254 : memref<512x64xf32, #tpu.memory_space<vmem>>) target(%dma_start3A_250 : memref<512x64xf32, #tpu.memory_space<hbm>>) target_semaphore(%run_scoped3A_238 : memref<!tpu.dma_semaphore, #tpu.memory_space<semaphore_mem>>)
        %dma_wait3A_255 = arith.constant 0 : i32
        %dma_wait3A_256 = arith.constant 0 : i32
        %dma_wait3A_257 = tpu.memref_slice %arg8[%run_scoped3A_172, %dma_wait3A_255, %dma_wait3A_256] : memref<2x512x64xf32, #tpu.memory_space<vmem>> -> memref<1x512x64xf32, #tpu.memory_space<vmem>>
        %dma_wait3A_258 = tpu.memref_squeeze %dma_wait3A_257 : memref<1x512x64xf32, #tpu.memory_space<vmem>> -> memref<512x64xf32, #tpu.memory_space<vmem>>
        %dma_wait3A_259 = arith.constant 0 : i32
        %dma_wait3A_260 = arith.constant 0 : i32
        %dma_wait3A_261 = tpu.memref_slice %arg5[%add3A_62, %dma_wait3A_259, %dma_wait3A_260] : memref<1024x512x64xf32, #tpu.memory_space<hbm>> -> memref<1x512x64xf32, #tpu.memory_space<hbm>>
        %dma_wait3A_262 = tpu.memref_squeeze %dma_wait3A_261 : memref<1x512x64xf32, #tpu.memory_space<hbm>> -> memref<512x64xf32, #tpu.memory_space<hbm>>
        %dma_wait3A_263 = arith.constant 0 : i32
        %dma_wait3A_264 = arith.constant 0 : i32
        %dma_wait3A_265 = tpu.memref_slice %arg5[%add3A_62, %dma_wait3A_263, %dma_wait3A_264] : memref<1024x512x64xf32, #tpu.memory_space<hbm>> -> memref<1x512x64xf32, #tpu.memory_space<hbm>>
        %dma_wait3A_266 = tpu.memref_squeeze %dma_wait3A_265 : memref<1x512x64xf32, #tpu.memory_space<hbm>> -> memref<512x64xf32, #tpu.memory_space<hbm>>
        %dma_wait3A_267 = arith.constant 0 : i32
        %dma_wait3A_268 = arith.constant 0 : i32
        %dma_wait3A_269 = tpu.memref_slice %arg8[%run_scoped3A_172, %dma_wait3A_267, %dma_wait3A_268] : memref<2x512x64xf32, #tpu.memory_space<vmem>> -> memref<1x512x64xf32, #tpu.memory_space<vmem>>
        %dma_wait3A_270 = tpu.memref_squeeze %dma_wait3A_269 : memref<1x512x64xf32, #tpu.memory_space<vmem>> -> memref<512x64xf32, #tpu.memory_space<vmem>>
        tpu.wait_dma2 semaphore(%run_scoped3A_238 : memref<!tpu.dma_semaphore, #tpu.memory_space<semaphore_mem>>) src(%dma_wait3A_270 : memref<512x64xf32, #tpu.memory_space<vmem>>) dst(%dma_wait3A_266 : memref<512x64xf32, #tpu.memory_space<hbm>>)
        tpu.yield
      }) : () -> ()
      %mul3A_173 = arith.constant 2 : i32
      %mul3A_174 = arith.muli %scan3A_59, %mul3A_173 : i32
      %add3A_175 = arith.constant 2 : i32
      %add3A_176 = arith.addi %mul3A_174, %add3A_175 : i32
      %lt3A = arith.constant 32 : i32
      %lt3A_177 = arith.cmpi slt, %add3A_176, %lt3A : i32
      %convert_element_type3A = arith.extui %lt3A_177 : i1 to i32
      %cond3A = arith.constant 0 : i32
      %cond3A_178 = arith.cmpi ne, %convert_element_type3A, %cond3A : i32
      scf.if %cond3A_178 {
        %add3A_238 = arith.constant 2 : i32
        %add3A_239 = arith.addi %add3A_62, %add3A_238 : i32
        %run_scoped3A_240 = arith.constant 0 : i32
        "tpu.region"() ({
          %run_scoped3A_293 = tpu.sem_alloc : memref<!tpu.dma_semaphore, #tpu.memory_space<semaphore_mem>>
          %dma_start3A_294 = arith.constant 0 : i32
          %dma_start3A_295 = arith.constant 0 : i32
          %dma_start3A_296 = tpu.memref_slice %arg7[%run_scoped3A_240, %dma_start3A_294, %dma_start3A_295] : memref<2x4x128xi32, #tpu.memory_space<vmem>> -> memref<1x4x128xi32, #tpu.memory_space<vmem>>
          %dma_start3A_297 = tpu.memref_squeeze %dma_start3A_296 : memref<1x4x128xi32, #tpu.memory_space<vmem>> -> memref<4x128xi32, #tpu.memory_space<vmem>>
          %dma_start3A_298 = arith.constant 0 : i32
          %dma_start3A_299 = arith.constant 0 : i32
          %dma_start3A_300 = tpu.memref_slice %arg2[%add3A_239, %dma_start3A_298, %dma_start3A_299] : memref<1024x4x128xi32, #tpu.memory_space<hbm>> -> memref<1x4x128xi32, #tpu.memory_space<hbm>>
          %dma_start3A_301 = tpu.memref_squeeze %dma_start3A_300 : memref<1x4x128xi32, #tpu.memory_space<hbm>> -> memref<4x128xi32, #tpu.memory_space<hbm>>
          %dma_start3A_302 = arith.constant 0 : i32
          %dma_start3A_303 = arith.constant 0 : i32
          %dma_start3A_304 = tpu.memref_slice %arg7[%run_scoped3A_240, %dma_start3A_302, %dma_start3A_303] : memref<2x4x128xi32, #tpu.memory_space<vmem>> -> memref<1x4x128xi32, #tpu.memory_space<vmem>>
          %dma_start3A_305 = tpu.memref_squeeze %dma_start3A_304 : memref<1x4x128xi32, #tpu.memory_space<vmem>> -> memref<4x128xi32, #tpu.memory_space<vmem>>
          %dma_start3A_306 = arith.constant 0 : i32
          %dma_start3A_307 = arith.constant 0 : i32
          %dma_start3A_308 = tpu.memref_slice %arg2[%add3A_239, %dma_start3A_306, %dma_start3A_307] : memref<1024x4x128xi32, #tpu.memory_space<hbm>> -> memref<1x4x128xi32, #tpu.memory_space<hbm>>
          %dma_start3A_309 = tpu.memref_squeeze %dma_start3A_308 : memref<1x4x128xi32, #tpu.memory_space<hbm>> -> memref<4x128xi32, #tpu.memory_space<hbm>>
          tpu.enqueue_dma source(%dma_start3A_309 : memref<4x128xi32, #tpu.memory_space<hbm>>) target(%dma_start3A_305 : memref<4x128xi32, #tpu.memory_space<vmem>>) target_semaphore(%run_scoped3A_293 : memref<!tpu.dma_semaphore, #tpu.memory_space<semaphore_mem>>)
          %dma_wait3A_310 = arith.constant 0 : i32
          %dma_wait3A_311 = arith.constant 0 : i32
          %dma_wait3A_312 = tpu.memref_slice %arg7[%run_scoped3A_240, %dma_wait3A_310, %dma_wait3A_311] : memref<2x4x128xi32, #tpu.memory_space<vmem>> -> memref<1x4x128xi32, #tpu.memory_space<vmem>>
          %dma_wait3A_313 = tpu.memref_squeeze %dma_wait3A_312 : memref<1x4x128xi32, #tpu.memory_space<vmem>> -> memref<4x128xi32, #tpu.memory_space<vmem>>
          %dma_wait3A_314 = arith.constant 0 : i32
          %dma_wait3A_315 = arith.constant 0 : i32
          %dma_wait3A_316 = tpu.memref_slice %arg2[%add3A_239, %dma_wait3A_314, %dma_wait3A_315] : memref<1024x4x128xi32, #tpu.memory_space<hbm>> -> memref<1x4x128xi32, #tpu.memory_space<hbm>>
          %dma_wait3A_317 = tpu.memref_squeeze %dma_wait3A_316 : memref<1x4x128xi32, #tpu.memory_space<hbm>> -> memref<4x128xi32, #tpu.memory_space<hbm>>
          %dma_wait3A_318 = arith.constant 0 : i32
          %dma_wait3A_319 = arith.constant 0 : i32
          %dma_wait3A_320 = tpu.memref_slice %arg7[%run_scoped3A_240, %dma_wait3A_318, %dma_wait3A_319] : memref<2x4x128xi32, #tpu.memory_space<vmem>> -> memref<1x4x128xi32, #tpu.memory_space<vmem>>
          %dma_wait3A_321 = tpu.memref_squeeze %dma_wait3A_320 : memref<1x4x128xi32, #tpu.memory_space<vmem>> -> memref<4x128xi32, #tpu.memory_space<vmem>>
          %dma_wait3A_322 = arith.constant 0 : i32
          %dma_wait3A_323 = arith.constant 0 : i32
          %dma_wait3A_324 = tpu.memref_slice %arg2[%add3A_239, %dma_wait3A_322, %dma_wait3A_323] : memref<1024x4x128xi32, #tpu.memory_space<hbm>> -> memref<1x4x128xi32, #tpu.memory_space<hbm>>
          %dma_wait3A_325 = tpu.memref_squeeze %dma_wait3A_324 : memref<1x4x128xi32, #tpu.memory_space<hbm>> -> memref<4x128xi32, #tpu.memory_space<hbm>>
          tpu.wait_dma2 semaphore(%run_scoped3A_293 : memref<!tpu.dma_semaphore, #tpu.memory_space<semaphore_mem>>) src(%dma_wait3A_325 : memref<4x128xi32, #tpu.memory_space<hbm>>) dst(%dma_wait3A_321 : memref<4x128xi32, #tpu.memory_space<vmem>>)
          tpu.yield
        }) : () -> ()
        %dma_start3A_241 = arith.constant 0 : i32
        %dma_start3A_242 = arith.constant 0 : i32
        %dma_start3A_243 = arith.constant 0 : i32
        %dma_start3A_244 = arith.constant 0 : i32
        %dma_start3A_245 = arith.constant 0 : i32
        %dma_start3A_246 = tpu.memref_slice %arg8[%dma_start3A_243, %dma_start3A_244, %dma_start3A_245] : memref<2x512x64xf32, #tpu.memory_space<vmem>> -> memref<1x128x64xf32, #tpu.memory_space<vmem>>
        %dma_start3A_247 = tpu.memref_squeeze %dma_start3A_246 : memref<1x128x64xf32, #tpu.memory_space<vmem>> -> memref<128x64xf32, #tpu.memory_space<vmem>>
        %dma_start3A_248 = arith.constant 0 : i32
        %dma_start3A_249 = tpu.memref_slice %arg7[%dma_start3A_241, %dma_start3A_242, %dma_start3A_248] : memref<2x4x128xi32, #tpu.memory_space<vmem>> -> memref<1x1x128xi32, #tpu.memory_space<vmem>>
        %dma_start3A_250 = tpu.memref_squeeze %dma_start3A_249 : memref<1x1x128xi32, #tpu.memory_space<vmem>> -> memref<128xi32, #tpu.memory_space<vmem>>
        %dma_start3A_251 = arith.constant 0 : i32
        %dma_start3A_252 = arith.constant 0 : i32
        %dma_start3A_253 = tpu.memref_slice %arg3[%dma_start3A_251, %dma_start3A_252] : memref<1000000x64xf32, #tpu.memory_space<hbm>> -> memref<1000000x64xf32, #tpu.memory_space<hbm>>
        tpu.enqueue_indirect_dma source(%dma_start3A_253 : memref<1000000x64xf32, #tpu.memory_space<hbm>>) target(%dma_start3A_247 : memref<128x64xf32, #tpu.memory_space<vmem>>) offsets(%dma_start3A_250 : memref<128xi32, #tpu.memory_space<vmem>>) semaphore(%arg9 : memref<!tpu.dma_semaphore, #tpu.memory_space<semaphore_mem>>)
        %dma_start3A_254 = arith.constant 0 : i32
        %dma_start3A_255 = arith.constant 1 : i32
        %dma_start3A_256 = arith.constant 0 : i32
        %dma_start3A_257 = arith.constant 128 : i32
        %dma_start3A_258 = arith.constant 0 : i32
        %dma_start3A_259 = tpu.memref_slice %arg8[%dma_start3A_256, %dma_start3A_257, %dma_start3A_258] : memref<2x512x64xf32, #tpu.memory_space<vmem>> -> memref<1x128x64xf32, #tpu.memory_space<vmem>>
        %dma_start3A_260 = tpu.memref_squeeze %dma_start3A_259 : memref<1x128x64xf32, #tpu.memory_space<vmem>> -> memref<128x64xf32, #tpu.memory_space<vmem>>
        %dma_start3A_261 = arith.constant 0 : i32
        %dma_start3A_262 = tpu.memref_slice %arg7[%dma_start3A_254, %dma_start3A_255, %dma_start3A_261] : memref<2x4x128xi32, #tpu.memory_space<vmem>> -> memref<1x1x128xi32, #tpu.memory_space<vmem>>
        %dma_start3A_263 = tpu.memref_squeeze %dma_start3A_262 : memref<1x1x128xi32, #tpu.memory_space<vmem>> -> memref<128xi32, #tpu.memory_space<vmem>>
        %dma_start3A_264 = arith.constant 0 : i32
        %dma_start3A_265 = arith.constant 0 : i32
        %dma_start3A_266 = tpu.memref_slice %arg3[%dma_start3A_264, %dma_start3A_265] : memref<1000000x64xf32, #tpu.memory_space<hbm>> -> memref<1000000x64xf32, #tpu.memory_space<hbm>>
        tpu.enqueue_indirect_dma source(%dma_start3A_266 : memref<1000000x64xf32, #tpu.memory_space<hbm>>) target(%dma_start3A_260 : memref<128x64xf32, #tpu.memory_space<vmem>>) offsets(%dma_start3A_263 : memref<128xi32, #tpu.memory_space<vmem>>) semaphore(%arg9 : memref<!tpu.dma_semaphore, #tpu.memory_space<semaphore_mem>>)
        %dma_start3A_267 = arith.constant 0 : i32
        %dma_start3A_268 = arith.constant 2 : i32
        %dma_start3A_269 = arith.constant 0 : i32
        %dma_start3A_270 = arith.constant 256 : i32
        %dma_start3A_271 = arith.constant 0 : i32
        %dma_start3A_272 = tpu.memref_slice %arg8[%dma_start3A_269, %dma_start3A_270, %dma_start3A_271] : memref<2x512x64xf32, #tpu.memory_space<vmem>> -> memref<1x128x64xf32, #tpu.memory_space<vmem>>
        %dma_start3A_273 = tpu.memref_squeeze %dma_start3A_272 : memref<1x128x64xf32, #tpu.memory_space<vmem>> -> memref<128x64xf32, #tpu.memory_space<vmem>>
        %dma_start3A_274 = arith.constant 0 : i32
        %dma_start3A_275 = tpu.memref_slice %arg7[%dma_start3A_267, %dma_start3A_268, %dma_start3A_274] : memref<2x4x128xi32, #tpu.memory_space<vmem>> -> memref<1x1x128xi32, #tpu.memory_space<vmem>>
        %dma_start3A_276 = tpu.memref_squeeze %dma_start3A_275 : memref<1x1x128xi32, #tpu.memory_space<vmem>> -> memref<128xi32, #tpu.memory_space<vmem>>
        %dma_start3A_277 = arith.constant 0 : i32
        %dma_start3A_278 = arith.constant 0 : i32
        %dma_start3A_279 = tpu.memref_slice %arg3[%dma_start3A_277, %dma_start3A_278] : memref<1000000x64xf32, #tpu.memory_space<hbm>> -> memref<1000000x64xf32, #tpu.memory_space<hbm>>
        tpu.enqueue_indirect_dma source(%dma_start3A_279 : memref<1000000x64xf32, #tpu.memory_space<hbm>>) target(%dma_start3A_273 : memref<128x64xf32, #tpu.memory_space<vmem>>) offsets(%dma_start3A_276 : memref<128xi32, #tpu.memory_space<vmem>>) semaphore(%arg9 : memref<!tpu.dma_semaphore, #tpu.memory_space<semaphore_mem>>)
        %dma_start3A_280 = arith.constant 0 : i32
        %dma_start3A_281 = arith.constant 3 : i32
        %dma_start3A_282 = arith.constant 0 : i32
        %dma_start3A_283 = arith.constant 384 : i32
        %dma_start3A_284 = arith.constant 0 : i32
        %dma_start3A_285 = tpu.memref_slice %arg8[%dma_start3A_282, %dma_start3A_283, %dma_start3A_284] : memref<2x512x64xf32, #tpu.memory_space<vmem>> -> memref<1x128x64xf32, #tpu.memory_space<vmem>>
        %dma_start3A_286 = tpu.memref_squeeze %dma_start3A_285 : memref<1x128x64xf32, #tpu.memory_space<vmem>> -> memref<128x64xf32, #tpu.memory_space<vmem>>
        %dma_start3A_287 = arith.constant 0 : i32
        %dma_start3A_288 = tpu.memref_slice %arg7[%dma_start3A_280, %dma_start3A_281, %dma_start3A_287] : memref<2x4x128xi32, #tpu.memory_space<vmem>> -> memref<1x1x128xi32, #tpu.memory_space<vmem>>
        %dma_start3A_289 = tpu.memref_squeeze %dma_start3A_288 : memref<1x1x128xi32, #tpu.memory_space<vmem>> -> memref<128xi32, #tpu.memory_space<vmem>>
        %dma_start3A_290 = arith.constant 0 : i32
        %dma_start3A_291 = arith.constant 0 : i32
        %dma_start3A_292 = tpu.memref_slice %arg3[%dma_start3A_290, %dma_start3A_291] : memref<1000000x64xf32, #tpu.memory_space<hbm>> -> memref<1000000x64xf32, #tpu.memory_space<hbm>>
        tpu.enqueue_indirect_dma source(%dma_start3A_292 : memref<1000000x64xf32, #tpu.memory_space<hbm>>) target(%dma_start3A_286 : memref<128x64xf32, #tpu.memory_space<vmem>>) offsets(%dma_start3A_289 : memref<128xi32, #tpu.memory_space<vmem>>) semaphore(%arg9 : memref<!tpu.dma_semaphore, #tpu.memory_space<semaphore_mem>>)
      } else {
      }
      %add3A_179 = arith.constant 1 : i32
      %add3A_180 = arith.addi %add3A_62, %add3A_179 : i32
      %dma_wait3A_181 = arith.constant 1 : i32
      %dma_wait3A_182 = arith.constant 0 : i32
      %dma_wait3A_183 = arith.constant 1 : i32
      %dma_wait3A_184 = arith.constant 0 : i32
      %dma_wait3A_185 = arith.constant 0 : i32
      %dma_wait3A_186 = tpu.memref_slice %arg8[%dma_wait3A_183, %dma_wait3A_184, %dma_wait3A_185] : memref<2x512x64xf32, #tpu.memory_space<vmem>> -> memref<1x128x64xf32, #tpu.memory_space<vmem>>
      %dma_wait3A_187 = tpu.memref_squeeze %dma_wait3A_186 : memref<1x128x64xf32, #tpu.memory_space<vmem>> -> memref<128x64xf32, #tpu.memory_space<vmem>>
      %dma_wait3A_188 = arith.constant 0 : i32
      %dma_wait3A_189 = tpu.memref_slice %arg7[%dma_wait3A_181, %dma_wait3A_182, %dma_wait3A_188] : memref<2x4x128xi32, #tpu.memory_space<vmem>> -> memref<1x1x128xi32, #tpu.memory_space<vmem>>
      %dma_wait3A_190 = tpu.memref_squeeze %dma_wait3A_189 : memref<1x1x128xi32, #tpu.memory_space<vmem>> -> memref<128xi32, #tpu.memory_space<vmem>>
      %dma_wait3A_191 = arith.constant 0 : i32
      %dma_wait3A_192 = arith.constant 0 : i32
      %dma_wait3A_193 = tpu.memref_slice %arg3[%dma_wait3A_191, %dma_wait3A_192] : memref<1000000x64xf32, #tpu.memory_space<hbm>> -> memref<1000000x64xf32, #tpu.memory_space<hbm>>
      tpu.wait_indirect_dma semaphore(%arg10 : memref<!tpu.dma_semaphore, #tpu.memory_space<semaphore_mem>>) src(%dma_wait3A_193 : memref<1000000x64xf32, #tpu.memory_space<hbm>>) dst(%dma_wait3A_187 : memref<128x64xf32, #tpu.memory_space<vmem>>)
      %dma_wait3A_194 = arith.constant 1 : i32
      %dma_wait3A_195 = arith.constant 1 : i32
      %dma_wait3A_196 = arith.constant 1 : i32
      %dma_wait3A_197 = arith.constant 128 : i32
      %dma_wait3A_198 = arith.constant 0 : i32
      %dma_wait3A_199 = tpu.memref_slice %arg8[%dma_wait3A_196, %dma_wait3A_197, %dma_wait3A_198] : memref<2x512x64xf32, #tpu.memory_space<vmem>> -> memref<1x128x64xf32, #tpu.memory_space<vmem>>
      %dma_wait3A_200 = tpu.memref_squeeze %dma_wait3A_199 : memref<1x128x64xf32, #tpu.memory_space<vmem>> -> memref<128x64xf32, #tpu.memory_space<vmem>>
      %dma_wait3A_201 = arith.constant 0 : i32
      %dma_wait3A_202 = tpu.memref_slice %arg7[%dma_wait3A_194, %dma_wait3A_195, %dma_wait3A_201] : memref<2x4x128xi32, #tpu.memory_space<vmem>> -> memref<1x1x128xi32, #tpu.memory_space<vmem>>
      %dma_wait3A_203 = tpu.memref_squeeze %dma_wait3A_202 : memref<1x1x128xi32, #tpu.memory_space<vmem>> -> memref<128xi32, #tpu.memory_space<vmem>>
      %dma_wait3A_204 = arith.constant 0 : i32
      %dma_wait3A_205 = arith.constant 0 : i32
      %dma_wait3A_206 = tpu.memref_slice %arg3[%dma_wait3A_204, %dma_wait3A_205] : memref<1000000x64xf32, #tpu.memory_space<hbm>> -> memref<1000000x64xf32, #tpu.memory_space<hbm>>
      tpu.wait_indirect_dma semaphore(%arg10 : memref<!tpu.dma_semaphore, #tpu.memory_space<semaphore_mem>>) src(%dma_wait3A_206 : memref<1000000x64xf32, #tpu.memory_space<hbm>>) dst(%dma_wait3A_200 : memref<128x64xf32, #tpu.memory_space<vmem>>)
      %dma_wait3A_207 = arith.constant 1 : i32
      %dma_wait3A_208 = arith.constant 2 : i32
      %dma_wait3A_209 = arith.constant 1 : i32
      %dma_wait3A_210 = arith.constant 256 : i32
      %dma_wait3A_211 = arith.constant 0 : i32
      %dma_wait3A_212 = tpu.memref_slice %arg8[%dma_wait3A_209, %dma_wait3A_210, %dma_wait3A_211] : memref<2x512x64xf32, #tpu.memory_space<vmem>> -> memref<1x128x64xf32, #tpu.memory_space<vmem>>
      %dma_wait3A_213 = tpu.memref_squeeze %dma_wait3A_212 : memref<1x128x64xf32, #tpu.memory_space<vmem>> -> memref<128x64xf32, #tpu.memory_space<vmem>>
      %dma_wait3A_214 = arith.constant 0 : i32
      %dma_wait3A_215 = tpu.memref_slice %arg7[%dma_wait3A_207, %dma_wait3A_208, %dma_wait3A_214] : memref<2x4x128xi32, #tpu.memory_space<vmem>> -> memref<1x1x128xi32, #tpu.memory_space<vmem>>
      %dma_wait3A_216 = tpu.memref_squeeze %dma_wait3A_215 : memref<1x1x128xi32, #tpu.memory_space<vmem>> -> memref<128xi32, #tpu.memory_space<vmem>>
      %dma_wait3A_217 = arith.constant 0 : i32
      %dma_wait3A_218 = arith.constant 0 : i32
      %dma_wait3A_219 = tpu.memref_slice %arg3[%dma_wait3A_217, %dma_wait3A_218] : memref<1000000x64xf32, #tpu.memory_space<hbm>> -> memref<1000000x64xf32, #tpu.memory_space<hbm>>
      tpu.wait_indirect_dma semaphore(%arg10 : memref<!tpu.dma_semaphore, #tpu.memory_space<semaphore_mem>>) src(%dma_wait3A_219 : memref<1000000x64xf32, #tpu.memory_space<hbm>>) dst(%dma_wait3A_213 : memref<128x64xf32, #tpu.memory_space<vmem>>)
      %dma_wait3A_220 = arith.constant 1 : i32
      %dma_wait3A_221 = arith.constant 3 : i32
      %dma_wait3A_222 = arith.constant 1 : i32
      %dma_wait3A_223 = arith.constant 384 : i32
      %dma_wait3A_224 = arith.constant 0 : i32
      %dma_wait3A_225 = tpu.memref_slice %arg8[%dma_wait3A_222, %dma_wait3A_223, %dma_wait3A_224] : memref<2x512x64xf32, #tpu.memory_space<vmem>> -> memref<1x128x64xf32, #tpu.memory_space<vmem>>
      %dma_wait3A_226 = tpu.memref_squeeze %dma_wait3A_225 : memref<1x128x64xf32, #tpu.memory_space<vmem>> -> memref<128x64xf32, #tpu.memory_space<vmem>>
      %dma_wait3A_227 = arith.constant 0 : i32
      %dma_wait3A_228 = tpu.memref_slice %arg7[%dma_wait3A_220, %dma_wait3A_221, %dma_wait3A_227] : memref<2x4x128xi32, #tpu.memory_space<vmem>> -> memref<1x1x128xi32, #tpu.memory_space<vmem>>
      %dma_wait3A_229 = tpu.memref_squeeze %dma_wait3A_228 : memref<1x1x128xi32, #tpu.memory_space<vmem>> -> memref<128xi32, #tpu.memory_space<vmem>>
      %dma_wait3A_230 = arith.constant 0 : i32
      %dma_wait3A_231 = arith.constant 0 : i32
      %dma_wait3A_232 = tpu.memref_slice %arg3[%dma_wait3A_230, %dma_wait3A_231] : memref<1000000x64xf32, #tpu.memory_space<hbm>> -> memref<1000000x64xf32, #tpu.memory_space<hbm>>
      tpu.wait_indirect_dma semaphore(%arg10 : memref<!tpu.dma_semaphore, #tpu.memory_space<semaphore_mem>>) src(%dma_wait3A_232 : memref<1000000x64xf32, #tpu.memory_space<hbm>>) dst(%dma_wait3A_226 : memref<128x64xf32, #tpu.memory_space<vmem>>)
      %parallel_loop3A_233 = arith.constant 0 : i32
      %parallel_loop3A_234 = arith.constant 512 : i32
      %parallel_loop3A_235 = arith.constant 1 : i32
      %parallel_loop3A_236 = arith.constant 1 : i32
      scf.for %parallel_loop3A_238 = %parallel_loop3A_233 to %parallel_loop3A_234 step %parallel_loop3A_235  : i32 {
        %parallel_loop3A_239 = arith.constant 0 : i32
        %parallel_loop3A_240 = arith.constant 0 : i32
        %parallel_loop3A_241 = tpu.memref_slice %arg8[%parallel_loop3A_236, %parallel_loop3A_239, %parallel_loop3A_240] : memref<2x512x64xf32, #tpu.memory_space<vmem>> -> memref<1x512x64xf32, #tpu.memory_space<vmem>>
        %parallel_loop3A_242 = tpu.memref_squeeze %parallel_loop3A_241 : memref<1x512x64xf32, #tpu.memory_space<vmem>> -> memref<512x64xf32, #tpu.memory_space<vmem>>
        %parallel_loop3A_243 = arith.index_cast %parallel_loop3A_238 : i32 to index
        %parallel_loop3A_244 = arith.constant 0 : index
        %parallel_loop3A_245 = tpu.vector_load %parallel_loop3A_242[%parallel_loop3A_243, %parallel_loop3A_244] {strides = array<i32>} : memref<512x64xf32, #tpu.memory_space<vmem>>, vector<1x16xf32>,
        %parallel_loop3A_246 = vector.shape_cast %parallel_loop3A_245 : vector<1x16xf32> to vector<16xf32>
        %parallel_loop3A_247 = arith.index_cast %parallel_loop3A_238 : i32 to index
        %parallel_loop3A_248 = arith.constant 0 : index
        %parallel_loop3A_249 = tpu.vector_load %arg6[%parallel_loop3A_247, %parallel_loop3A_248] {strides = array<i32>} : memref<512x64xf32, #tpu.memory_space<vmem>>, vector<1x16xf32>,
        %parallel_loop3A_250 = vector.shape_cast %parallel_loop3A_249 : vector<1x16xf32> to vector<16xf32>
        %parallel_loop3A_251 = arith.addf %parallel_loop3A_246, %parallel_loop3A_250 : vector<16xf32>
        %parallel_loop3A_252 = arith.constant 0 : i32
        %parallel_loop3A_253 = arith.constant 0 : i32
        %parallel_loop3A_254 = tpu.memref_slice %arg8[%parallel_loop3A_236, %parallel_loop3A_252, %parallel_loop3A_253] : memref<2x512x64xf32, #tpu.memory_space<vmem>> -> memref<1x512x64xf32, #tpu.memory_space<vmem>>
        %parallel_loop3A_255 = tpu.memref_squeeze %parallel_loop3A_254 : memref<1x512x64xf32, #tpu.memory_space<vmem>> -> memref<512x64xf32, #tpu.memory_space<vmem>>
        %parallel_loop3A_256 = arith.index_cast %parallel_loop3A_238 : i32 to index
        %parallel_loop3A_257 = arith.constant 0 : index
        %parallel_loop3A_258 = tpu.vector_load %parallel_loop3A_255[%parallel_loop3A_256, %parallel_loop3A_257] {strides = array<i32>} : memref<512x64xf32, #tpu.memory_space<vmem>>, vector<1x16xf32>,
        %parallel_loop3A_259 = vector.shape_cast %parallel_loop3A_258 : vector<1x16xf32> to vector<16xf32>
        %parallel_loop3A_260 = vector.shape_cast %parallel_loop3A_251 : vector<16xf32> to vector<1x16xf32>
        tpu.vector_store %parallel_loop3A_255[%parallel_loop3A_256, %parallel_loop3A_257], %parallel_loop3A_260 {strides = array<i32>} : memref<512x64xf32, #tpu.memory_space<vmem>>, vector<1x16xf32>,
        %parallel_loop3A_261 = arith.constant 0 : i32
        %parallel_loop3A_262 = arith.constant 0 : i32
        %parallel_loop3A_263 = tpu.memref_slice %arg8[%parallel_loop3A_236, %parallel_loop3A_261, %parallel_loop3A_262] : memref<2x512x64xf32, #tpu.memory_space<vmem>> -> memref<1x512x64xf32, #tpu.memory_space<vmem>>
        %parallel_loop3A_264 = tpu.memref_squeeze %parallel_loop3A_263 : memref<1x512x64xf32, #tpu.memory_space<vmem>> -> memref<512x64xf32, #tpu.memory_space<vmem>>
        %parallel_loop3A_265 = arith.index_cast %parallel_loop3A_238 : i32 to index
        %parallel_loop3A_266 = arith.constant 16 : index
        %parallel_loop3A_267 = tpu.vector_load %parallel_loop3A_264[%parallel_loop3A_265, %parallel_loop3A_266] {strides = array<i32>} : memref<512x64xf32, #tpu.memory_space<vmem>>, vector<1x16xf32>,
        %parallel_loop3A_268 = vector.shape_cast %parallel_loop3A_267 : vector<1x16xf32> to vector<16xf32>
        %parallel_loop3A_269 = arith.index_cast %parallel_loop3A_238 : i32 to index
        %parallel_loop3A_270 = arith.constant 16 : index
        %parallel_loop3A_271 = tpu.vector_load %arg6[%parallel_loop3A_269, %parallel_loop3A_270] {strides = array<i32>} : memref<512x64xf32, #tpu.memory_space<vmem>>, vector<1x16xf32>,
        %parallel_loop3A_272 = vector.shape_cast %parallel_loop3A_271 : vector<1x16xf32> to vector<16xf32>
        %parallel_loop3A_273 = arith.addf %parallel_loop3A_268, %parallel_loop3A_272 : vector<16xf32>
        %parallel_loop3A_274 = arith.constant 0 : i32
        %parallel_loop3A_275 = arith.constant 0 : i32
        %parallel_loop3A_276 = tpu.memref_slice %arg8[%parallel_loop3A_236, %parallel_loop3A_274, %parallel_loop3A_275] : memref<2x512x64xf32, #tpu.memory_space<vmem>> -> memref<1x512x64xf32, #tpu.memory_space<vmem>>
        %parallel_loop3A_277 = tpu.memref_squeeze %parallel_loop3A_276 : memref<1x512x64xf32, #tpu.memory_space<vmem>> -> memref<512x64xf32, #tpu.memory_space<vmem>>
        %parallel_loop3A_278 = arith.index_cast %parallel_loop3A_238 : i32 to index
        %parallel_loop3A_279 = arith.constant 16 : index
        %parallel_loop3A_280 = tpu.vector_load %parallel_loop3A_277[%parallel_loop3A_278, %parallel_loop3A_279] {strides = array<i32>} : memref<512x64xf32, #tpu.memory_space<vmem>>, vector<1x16xf32>,
        %parallel_loop3A_281 = vector.shape_cast %parallel_loop3A_280 : vector<1x16xf32> to vector<16xf32>
        %parallel_loop3A_282 = vector.shape_cast %parallel_loop3A_273 : vector<16xf32> to vector<1x16xf32>
        tpu.vector_store %parallel_loop3A_277[%parallel_loop3A_278, %parallel_loop3A_279], %parallel_loop3A_282 {strides = array<i32>} : memref<512x64xf32, #tpu.memory_space<vmem>>, vector<1x16xf32>,
        %parallel_loop3A_283 = arith.constant 0 : i32
        %parallel_loop3A_284 = arith.constant 0 : i32
        %parallel_loop3A_285 = tpu.memref_slice %arg8[%parallel_loop3A_236, %parallel_loop3A_283, %parallel_loop3A_284] : memref<2x512x64xf32, #tpu.memory_space<vmem>> -> memref<1x512x64xf32, #tpu.memory_space<vmem>>
        %parallel_loop3A_286 = tpu.memref_squeeze %parallel_loop3A_285 : memref<1x512x64xf32, #tpu.memory_space<vmem>> -> memref<512x64xf32, #tpu.memory_space<vmem>>
        %parallel_loop3A_287 = arith.index_cast %parallel_loop3A_238 : i32 to index
        %parallel_loop3A_288 = arith.constant 32 : index
        %parallel_loop3A_289 = tpu.vector_load %parallel_loop3A_286[%parallel_loop3A_287, %parallel_loop3A_288] {strides = array<i32>} : memref<512x64xf32, #tpu.memory_space<vmem>>, vector<1x16xf32>,
        %parallel_loop3A_290 = vector.shape_cast %parallel_loop3A_289 : vector<1x16xf32> to vector<16xf32>
        %parallel_loop3A_291 = arith.index_cast %parallel_loop3A_238 : i32 to index
        %parallel_loop3A_292 = arith.constant 32 : index
        %parallel_loop3A_293 = tpu.vector_load %arg6[%parallel_loop3A_291, %parallel_loop3A_292] {strides = array<i32>} : memref<512x64xf32, #tpu.memory_space<vmem>>, vector<1x16xf32>,
        %parallel_loop3A_294 = vector.shape_cast %parallel_loop3A_293 : vector<1x16xf32> to vector<16xf32>
        %parallel_loop3A_295 = arith.addf %parallel_loop3A_290, %parallel_loop3A_294 : vector<16xf32>
        %parallel_loop3A_296 = arith.constant 0 : i32
        %parallel_loop3A_297 = arith.constant 0 : i32
        %parallel_loop3A_298 = tpu.memref_slice %arg8[%parallel_loop3A_236, %parallel_loop3A_296, %parallel_loop3A_297] : memref<2x512x64xf32, #tpu.memory_space<vmem>> -> memref<1x512x64xf32, #tpu.memory_space<vmem>>
        %parallel_loop3A_299 = tpu.memref_squeeze %parallel_loop3A_298 : memref<1x512x64xf32, #tpu.memory_space<vmem>> -> memref<512x64xf32, #tpu.memory_space<vmem>>
        %parallel_loop3A_300 = arith.index_cast %parallel_loop3A_238 : i32 to index
        %parallel_loop3A_301 = arith.constant 32 : index
        %parallel_loop3A_302 = tpu.vector_load %parallel_loop3A_299[%parallel_loop3A_300, %parallel_loop3A_301] {strides = array<i32>} : memref<512x64xf32, #tpu.memory_space<vmem>>, vector<1x16xf32>,
        %parallel_loop3A_303 = vector.shape_cast %parallel_loop3A_302 : vector<1x16xf32> to vector<16xf32>
        %parallel_loop3A_304 = vector.shape_cast %parallel_loop3A_295 : vector<16xf32> to vector<1x16xf32>
        tpu.vector_store %parallel_loop3A_299[%parallel_loop3A_300, %parallel_loop3A_301], %parallel_loop3A_304 {strides = array<i32>} : memref<512x64xf32, #tpu.memory_space<vmem>>, vector<1x16xf32>,
        %parallel_loop3A_305 = arith.constant 0 : i32
        %parallel_loop3A_306 = arith.constant 0 : i32
        %parallel_loop3A_307 = tpu.memref_slice %arg8[%parallel_loop3A_236, %parallel_loop3A_305, %parallel_loop3A_306] : memref<2x512x64xf32, #tpu.memory_space<vmem>> -> memref<1x512x64xf32, #tpu.memory_space<vmem>>
        %parallel_loop3A_308 = tpu.memref_squeeze %parallel_loop3A_307 : memref<1x512x64xf32, #tpu.memory_space<vmem>> -> memref<512x64xf32, #tpu.memory_space<vmem>>
        %parallel_loop3A_309 = arith.index_cast %parallel_loop3A_238 : i32 to index
        %parallel_loop3A_310 = arith.constant 48 : index
        %parallel_loop3A_311 = tpu.vector_load %parallel_loop3A_308[%parallel_loop3A_309, %parallel_loop3A_310] {strides = array<i32>} : memref<512x64xf32, #tpu.memory_space<vmem>>, vector<1x16xf32>,
        %parallel_loop3A_312 = vector.shape_cast %parallel_loop3A_311 : vector<1x16xf32> to vector<16xf32>
        %parallel_loop3A_313 = arith.index_cast %parallel_loop3A_238 : i32 to index
        %parallel_loop3A_314 = arith.constant 48 : index
        %parallel_loop3A_315 = tpu.vector_load %arg6[%parallel_loop3A_313, %parallel_loop3A_314] {strides = array<i32>} : memref<512x64xf32, #tpu.memory_space<vmem>>, vector<1x16xf32>,
        %parallel_loop3A_316 = vector.shape_cast %parallel_loop3A_315 : vector<1x16xf32> to vector<16xf32>
        %parallel_loop3A_317 = arith.addf %parallel_loop3A_312, %parallel_loop3A_316 : vector<16xf32>
        %parallel_loop3A_318 = arith.constant 0 : i32
        %parallel_loop3A_319 = arith.constant 0 : i32
        %parallel_loop3A_320 = tpu.memref_slice %arg8[%parallel_loop3A_236, %parallel_loop3A_318, %parallel_loop3A_319] : memref<2x512x64xf32, #tpu.memory_space<vmem>> -> memref<1x512x64xf32, #tpu.memory_space<vmem>>
        %parallel_loop3A_321 = tpu.memref_squeeze %parallel_loop3A_320 : memref<1x512x64xf32, #tpu.memory_space<vmem>> -> memref<512x64xf32, #tpu.memory_space<vmem>>
        %parallel_loop3A_322 = arith.index_cast %parallel_loop3A_238 : i32 to index
        %parallel_loop3A_323 = arith.constant 48 : index
        %parallel_loop3A_324 = tpu.vector_load %parallel_loop3A_321[%parallel_loop3A_322, %parallel_loop3A_323] {strides = array<i32>} : memref<512x64xf32, #tpu.memory_space<vmem>>, vector<1x16xf32>,
        %parallel_loop3A_325 = vector.shape_cast %parallel_loop3A_324 : vector<1x16xf32> to vector<16xf32>
        %parallel_loop3A_326 = vector.shape_cast %parallel_loop3A_317 : vector<16xf32> to vector<1x16xf32>
        tpu.vector_store %parallel_loop3A_321[%parallel_loop3A_322, %parallel_loop3A_323], %parallel_loop3A_326 {strides = array<i32>} : memref<512x64xf32, #tpu.memory_space<vmem>>, vector<1x16xf32>,
      } {sc.loop_unroll_factor = 4 : i64, sc.parallel_access}
      %run_scoped3A_237 = arith.constant 1 : i32
      "tpu.region"() ({
        %run_scoped3A_238 = tpu.sem_alloc : memref<!tpu.dma_semaphore, #tpu.memory_space<semaphore_mem>>
        %dma_start3A_239 = arith.constant 0 : i32
        %dma_start3A_240 = arith.constant 0 : i32
        %dma_start3A_241 = tpu.memref_slice %arg8[%run_scoped3A_237, %dma_start3A_239, %dma_start3A_240] : memref<2x512x64xf32, #tpu.memory_space<vmem>> -> memref<1x512x64xf32, #tpu.memory_space<vmem>>
        %dma_start3A_242 = tpu.memref_squeeze %dma_start3A_241 : memref<1x512x64xf32, #tpu.memory_space<vmem>> -> memref<512x64xf32, #tpu.memory_space<vmem>>
        %dma_start3A_243 = arith.constant 0 : i32
        %dma_start3A_244 = arith.constant 0 : i32
        %dma_start3A_245 = tpu.memref_slice %arg5[%add3A_180, %dma_start3A_243, %dma_start3A_244] : memref<1024x512x64xf32, #tpu.memory_space<hbm>> -> memref<1x512x64xf32, #tpu.memory_space<hbm>>
        %dma_start3A_246 = tpu.memref_squeeze %dma_start3A_245 : memref<1x512x64xf32, #tpu.memory_space<hbm>> -> memref<512x64xf32, #tpu.memory_space<hbm>>
        %dma_start3A_247 = arith.constant 0 : i32
        %dma_start3A_248 = arith.constant 0 : i32
        %dma_start3A_249 = tpu.memref_slice %arg5[%add3A_180, %dma_start3A_247, %dma_start3A_248] : memref<1024x512x64xf32, #tpu.memory_space<hbm>> -> memref<1x512x64xf32, #tpu.memory_space<hbm>>
        %dma_start3A_250 = tpu.memref_squeeze %dma_start3A_249 : memref<1x512x64xf32, #tpu.memory_space<hbm>> -> memref<512x64xf32, #tpu.memory_space<hbm>>
        %dma_start3A_251 = arith.constant 0 : i32
        %dma_start3A_252 = arith.constant 0 : i32
        %dma_start3A_253 = tpu.memref_slice %arg8[%run_scoped3A_237, %dma_start3A_251, %dma_start3A_252] : memref<2x512x64xf32, #tpu.memory_space<vmem>> -> memref<1x512x64xf32, #tpu.memory_space<vmem>>
        %dma_start3A_254 = tpu.memref_squeeze %dma_start3A_253 : memref<1x512x64xf32, #tpu.memory_space<vmem>> -> memref<512x64xf32, #tpu.memory_space<vmem>>
        tpu.enqueue_dma source(%dma_start3A_254 : memref<512x64xf32, #tpu.memory_space<vmem>>) target(%dma_start3A_250 : memref<512x64xf32, #tpu.memory_space<hbm>>) target_semaphore(%run_scoped3A_238 : memref<!tpu.dma_semaphore, #tpu.memory_space<semaphore_mem>>)
        %dma_wait3A_255 = arith.constant 0 : i32
        %dma_wait3A_256 = arith.constant 0 : i32
        %dma_wait3A_257 = tpu.memref_slice %arg8[%run_scoped3A_237, %dma_wait3A_255, %dma_wait3A_256] : memref<2x512x64xf32, #tpu.memory_space<vmem>> -> memref<1x512x64xf32, #tpu.memory_space<vmem>>
        %dma_wait3A_258 = tpu.memref_squeeze %dma_wait3A_257 : memref<1x512x64xf32, #tpu.memory_space<vmem>> -> memref<512x64xf32, #tpu.memory_space<vmem>>
        %dma_wait3A_259 = arith.constant 0 : i32
        %dma_wait3A_260 = arith.constant 0 : i32
        %dma_wait3A_261 = tpu.memref_slice %arg5[%add3A_180, %dma_wait3A_259, %dma_wait3A_260] : memref<1024x512x64xf32, #tpu.memory_space<hbm>> -> memref<1x512x64xf32, #tpu.memory_space<hbm>>
        %dma_wait3A_262 = tpu.memref_squeeze %dma_wait3A_261 : memref<1x512x64xf32, #tpu.memory_space<hbm>> -> memref<512x64xf32, #tpu.memory_space<hbm>>
        %dma_wait3A_263 = arith.constant 0 : i32
        %dma_wait3A_264 = arith.constant 0 : i32
        %dma_wait3A_265 = tpu.memref_slice %arg5[%add3A_180, %dma_wait3A_263, %dma_wait3A_264] : memref<1024x512x64xf32, #tpu.memory_space<hbm>> -> memref<1x512x64xf32, #tpu.memory_space<hbm>>
        %dma_wait3A_266 = tpu.memref_squeeze %dma_wait3A_265 : memref<1x512x64xf32, #tpu.memory_space<hbm>> -> memref<512x64xf32, #tpu.memory_space<hbm>>
        %dma_wait3A_267 = arith.constant 0 : i32
        %dma_wait3A_268 = arith.constant 0 : i32
        %dma_wait3A_269 = tpu.memref_slice %arg8[%run_scoped3A_237, %dma_wait3A_267, %dma_wait3A_268] : memref<2x512x64xf32, #tpu.memory_space<vmem>> -> memref<1x512x64xf32, #tpu.memory_space<vmem>>
        %dma_wait3A_270 = tpu.memref_squeeze %dma_wait3A_269 : memref<1x512x64xf32, #tpu.memory_space<vmem>> -> memref<512x64xf32, #tpu.memory_space<vmem>>
        tpu.wait_dma2 semaphore(%run_scoped3A_238 : memref<!tpu.dma_semaphore, #tpu.memory_space<semaphore_mem>>) src(%dma_wait3A_270 : memref<512x64xf32, #tpu.memory_space<vmem>>) dst(%dma_wait3A_266 : memref<512x64xf32, #tpu.memory_space<hbm>>)
        tpu.yield
      }) : () -> ()
    }
    %scan3A_58 = arith.constant 16 : i32
    return
  }
}

</mosaic_0001>

<sc_bundles>
// kernel: kernel.3.cloned.1.call-start
scs
__scs_entry_jumppad:
0x0: {  	(pc) =	sbr.rel $0x88, $3  }
0x1: {  	(tag) =	ssettag $0x0;
	lr =	simm.s32 $0x1  }
0x2: {  	[smem:$0x3F9E] =	sst lr;
	_ =	strace $0xD0000000  }
0x3: {  	_ = 	snop  }
0x4: {  	_ = 	snop  }
0x5: {  	_ = 	snop  }
0x6: {  	_ = 	snop  }
0x7: {  	_ = 	snop  }
__scs_overlays_trampoline_lowered:
0x8: {  	[smem:$0x3FAD] =	sst s0  }
0x9: {  	[smem:$0x3FAE] =	sst s1  }
0xa: {  	[smem:$0x3FAF] =	sst s2  }
0xb: {  	[smem:$0x3FB0] =	sst s3  }
0xc: {  	[smem:$0x3FB1] =	sst s4  }
0xd: {  	[smem:$0x3FB2] =	sst s5  }
0xe: {  	[smem:$0x3FB3] =	sst s6  }
0xf: {  	[smem:$0x3FB4] =	sst s7  }
0x10: {  	[smem:$0x3FB5] =	sst s8  }
0x11: {  	[smem:$0x3FB6] =	sst s9;
	s0 =	simm.s32 @!p0 $0x0  }
0x12: {  	s1 =	sld [smem:$0x3F9C];
	s0 =	simm.s32 @p0 $0x1  }
0x13: {  	[smem:$0x3FB7] =	sst s0;
	s0 =	simm.s32 @!p1 $0x0  }
0x14: {  	s2 =	sld [smem:$0x3F9B];
	s0 =	simm.s32 @p1 $0x1  }
0x15: {  	[smem:$0x3FB8] =	sst s0;
	s0 =	simm.s32 @!p2 $0x0  }
0x16: {  	s3 =	sld [smem:$0x3FDB];
	s0 =	simm.s32 @p2 $0x1  }
0x17: {  	s4 =	simm.s32 $0x1BF5;
	[smem:$0x3FBA] =	sst s0  }
0x18: {  	s0 =	sld [smem:$0x3F9D];
	_ =	swait.ge [sflag:s4], $0x0  }
0x19: {  	s7 =	sld [smem:$0x3F9E]  }
0x1a: {  	s8 =	sadd.s32 $0xFFFFE003, lr  }
0x1b: {  	s9 =	sadd.s32 $0xFFFFFEF7, lr;
	s5 =	simm.s32 $0xFFFFFFFF;
	p2 =	slt.u32 s8, $0xFFFFF086  }
0x1c: {  	p1 =	slt.u32 s9, $0xF7A;
	s5 =	simm.s32 @!p2 $0x0  }
0x1d: {  	s5 =	simm.s32 @p1 $0x1;
	p0 =	seq.s32 s7, s2  }
0x1e: {  	s7 =	smul.u32 @!p0 $0xF7A, s2;
	p2 =	seq.s32 @!p0 s5, $0x0  }
0x1f: {  	s9 =	smul.u32 $0xF7A, s1;
	s8 =	simm.s32 @!p0 $0x1BF5;
	p2 =	por !p2, p0  }
0x20: {  	[sflag:s8] =	ssyncset.s32 @!p0 $0xFFFFF086;
	s6 =	sadd.s32 @!p0 s3, s7;
	s7 =	simm.s32 @!p0 $0x108  }
0x21: {  	s3 =	sadd.s32 s3, s9;
	s6 =	sadd.s32 @!p0 $0x88, s6;
	s7 =	simm.s32 @p2 $0x1082  }
0x22: {  	[simem:s7], [sflag:s8] =	dma.local @!p0 [hbm:s6], $0xF7A  }
0x23: {  	s9 =	sor.u32 $0xD0000000, s2;
	s6 =	simm.s32 $0x108;
	_ =	swait.ge @!p0 [sflag:s8], $0x0  }
0x24: {  	s3 =	sadd.s32 $0x88, s3;
	s6 =	simm.s32 @!p1 $0x1082;
	[sflag:s4] =	ssyncset.s32 $0xFFFFF086  }
0x25: {  	[simem:s6], [sflag:s4] =	dma.local [hbm:s3], $0xF7A  }
0x26: {  	[smem:$0x3F9E] =	sst s1;
	(tag) =	ssettag s2;
	_ =	strace s9  }
0x27: {  	s1 =	sld [smem:$0x3FAE]  }
0x28: {  	s2 =	sld [smem:$0x3FAF]  }
0x29: {  	s4 =	sld [smem:$0x3FB1]  }
0x2a: {  	p0 =	seq.s32 s5, $0x0;
	s5 =	sld [smem:$0x3FB2]  }
0x2b: {  	s6 =	sld [smem:$0x3FB3]  }
0x2c: {  	s7 =	sld [smem:$0x3FB4]  }
0x2d: {  	s3 =	simm.s32 $0x108;
	s8 =	sld [smem:$0x3FB5]  }
0x2e: {  	s3 =	simm.s32 @!p0 $0x1082;
	s9 =	sld [smem:$0x3FB6]  }
0x2f: {  	lr =	sadd.s32 s0, s3;
	s0 =	sld [smem:$0x3FAD]  }
0x30: {  	s3 =	sld [smem:$0x3FB0]  }
0x31: {  	[smem:$0x3FB9] =	sst s10  }
0x32: {  	s10 =	sld [smem:$0x3FB7];
	_ =	sdelay $0x3  }
0x33: {  	p0 =	seq.s32 s10, $0x1;
	s10 =	sld [smem:$0x3FB9];
	_ =	sdelay $0x3  }
0x34: {  	[smem:$0x3FB9] =	sst s10  }
0x35: {  	s10 =	sld [smem:$0x3FB8];
	_ =	sdelay $0x3  }
0x36: {  	p1 =	seq.s32 s10, $0x1;
	s10 =	sld [smem:$0x3FB9];
	_ =	sdelay $0x3  }
0x37: {  	[smem:$0x3FB9] =	sst s10  }
0x38: {  	s10 =	sld [smem:$0x3FBA]  }
0x39: {  	_ = 	snop;
	(pc) =	sbr.ind lr, $3  }
0x3a: {  	_ = 	snop  }
0x3b: {  	_ = 	snop  }
0x3c: {  	p2 =	seq.s32 s10, $0x1;
	s10 =	sld [smem:$0x3FB9]  }
0x3d: {  	_ =	shalt  }
0x3e: {  	_ =	shalt  }
0x3f: {  	_ =	shalt  }
0x40: {  	_ =	shalt  }
0x41: {  	_ =	shalt  }
0x42: {  	_ =	shalt  }
0x43: {  	_ =	shalt  }
0x44: {  	_ =	shalt  }
0x45: {  	_ =	shalt  }
0x46: {  	_ =	shalt  }
0x47: {  	_ =	shalt  }
0x48: {  	_ =	shalt  }
0x49: {  	_ =	shalt  }
0x4a: {  	_ =	shalt  }
0x4b: {  	_ =	shalt  }
0x4c: {  	_ =	shalt  }
0x4d: {  	_ =	shalt  }
0x4e: {  	_ =	shalt  }
0x4f: {  	_ =	shalt  }
0x50: {  	_ =	shalt  }
0x51: {  	_ =	shalt  }
0x52: {  	_ =	shalt  }
0x53: {  	_ =	shalt  }
0x54: {  	_ =	shalt  }
0x55: {  	_ =	shalt  }
0x56: {  	_ =	shalt  }
0x57: {  	_ =	shalt  }
0x58: {  	_ =	shalt  }
0x59: {  	_ =	shalt  }
0x5a: {  	_ =	shalt  }
0x5b: {  	_ =	shalt  }
0x5c: {  	_ =	shalt  }
0x5d: {  	_ =	shalt  }
0x5e: {  	_ =	shalt  }
0x5f: {  	_ =	shalt  }
0x60: {  	_ =	shalt  }
0x61: {  	_ =	shalt  }
0x62: {  	_ =	shalt  }
0x63: {  	_ =	shalt  }
0x64: {  	_ =	shalt  }
0x65: {  	_ =	shalt  }
0x66: {  	_ =	shalt  }
0x67: {  	_ =	shalt  }
0x68: {  	_ =	shalt  }
0x69: {  	_ =	shalt  }
0x6a: {  	_ =	shalt  }
0x6b: {  	_ =	shalt  }
0x6c: {  	_ =	shalt  }
0x6d: {  	_ =	shalt  }
0x6e: {  	_ =	shalt  }
0x6f: {  	_ =	shalt  }
0x70: {  	_ =	shalt  }
0x71: {  	_ =	shalt  }
0x72: {  	_ =	shalt  }
0x73: {  	_ =	shalt  }
0x74: {  	_ =	shalt  }
0x75: {  	_ =	shalt  }
0x76: {  	_ =	shalt  }
0x77: {  	_ =	shalt  }
0x78: {  	_ =	shalt  }
0x79: {  	_ =	shalt  }
0x7a: {  	_ =	shalt  }
0x7b: {  	_ =	shalt  }
0x7c: {  	_ =	shalt  }
0x7d: {  	_ =	shalt  }
0x7e: {  	_ =	shalt  }
0x7f: {  	_ =	shalt  }
0x80: {  	_ =	shalt  }
0x81: {  	_ =	shalt  }
0x82: {  	_ =	shalt  }
0x83: {  	_ =	shalt  }
0x84: {  	_ =	shalt  }
0x85: {  	_ =	shalt  }
0x86: {  	_ =	shalt  }
0x87: {  	_ =	shalt  }
.Lfunc_end0:
.L_simem_size_0:
called_computation.1_lowered:
.L_overlay_start_0:
0x88: {  	s2 =	sld [smem:$0x3FD9]  }
0x89: {  	s3 =	sld [smem:$0x3FFE];
	_ =	sdelay $0x1  }
0x8a: {  	s1 =	srdreg.scid  }
0x8b: {  	s0 =	sand.u32 $0x1, s1  }
0x8c: {  	s17 =	sshll.u32 s0, $0xA;
	s2 =	sadd.s32 s3, s2  }
0x8d: {  	s2 =	sadd.s32 s2, s17  }
0x8e: {  	[smem:$0x3FC5] =	sst s2  }
0x8f: {  	_ = 	snop  }
0x90: {  	s2 =	sld [smem:$0x3FD0];
	(tm) =	ssettm $0x1  }
0x91: {  	s18 =	sld [smem:$0x3FFB];
	_ =	sdelay $0x3  }
0x92: {  	_ =	strace s18  }
0x93: {  	s3 =	sld [smem:$0x3FFC];
	_ =	sdelay $0x3  }
0x94: {  	_ =	strace s3  }
0x95: {  	s3 =	sld [smem:$0x3FFD];
	_ =	sdelay $0x3  }
0x96: {  	_ =	strace s3  }
0x97: {  	_ =	strace $0x8FFFFFFF  }
0x98: {  	s19 =	sld [smem:$0x3FDB];
	_ =	sdelay $0x1  }
0x99: {  	s4 =	simm.s32 $_scs_section_size  }
0x9a: {  	s5 =	simm.s32 $_size__tile_overlayer_lowered;
	s6 =	simm.s32 $_tile_overlayer_lowered  }
0x9b: {  	s22 =	simm.s32 $0x1BFF;
	s21 =	sshll.u32 s6, $0x1;
	s3 =	sadd.s32 s4, s19  }
0x9c: {  	s7 =	simm.s32 $0x0;
	s20 =	sshll.u32 s5, $0x1;
	s5 =	sadd.s32 s21, s3  }
0x9d: {  	[timem:s7], [sflag:s22] =	dma.local [hbm:s5], s20  }
0x9e: {  	_ =	swait.ge [sflag:s22], s20  }
0x9f: {  	s4 =	ssub.s32 $0x0, s20;
	[sflag:s22] =	ssyncset.done $0x0  }
0xa0: {  	[sflag:s22] =	ssyncadd.s32 s4;
	_ =	sdelay $0x1  }
0xa1: {  	s23 =	simm.s32 $0x1B8B  }
0xa2: {  	_ =	swait.ge [sflag:s23], $0x1  }
0xa3: {  	[sflag:s23] =	ssyncset.done $0x0  }
0xa4: {  	s25 =	simm.s32 $0x1B8E;
	s24 =	sld [smem:$0x3FFE];
	[sflag:s23] =	ssyncadd.s32 $0xFFFFFFFF  }
0xa5: {  	s26 =	simm.s32 $execute0_lowered;
	[smem:$0x3FD2] =	sst s25  }
0xa6: {  	s5 =	sshll.u32 s26, $0x1;
	_ =	strace $0x80000046;
	[dreg:$0x1] =	wrdreg $0xFFFFFFFF  }
0xa7: {  	s28 =	simm.s32 $_size_execute0_lowered;
	s3 =	sadd.s32 s3, s5;
	[dreg:$0x0] =	wrdreg $0x0  }
0xa8: {  	s5 =	sshll.u32 s28, $0x1;
	[dreg:$0x2] =	wrdreg s3  }
0xa9: {  	[dreg:$0x3] =	wrdreg s5  }
0xaa: {  	[dreg:$0x4] =	wrdreg $0xC0  }
0xab: {  	_ =	task [dreg:s7], $0x5FFFF  }
0xac: {  	[dreg:$0x1] =	wrdreg $0xFFFFFFFF  }
0xad: {  	[dreg:$0x0] =	wrdreg $0x60  }
0xae: {  	[dreg:$0x2] =	wrdreg s24  }
0xaf: {  	[dreg:$0x3] =	wrdreg s2  }
0xb0: {  	[dreg:$0x4] =	wrdreg $0x9  }
0xb1: {  	_ =	task.clear_ibuf [dreg:s7], $0x5FFFF;
	_ =	strace $0x90000046  }
0xb2: {  	s29 =	simm.s32 $0x9;
	_ =	strace $0x80000048  }
0xb3: {  	_ =	swait.ge [sflag:s29], $0x1  }
0xb4: {  	[sflag:s29] =	ssyncadd.s32 $0xFFFFFFFF  }
0xb5: {  	_ =	strace $0x90000048  }
0xb6: {  	_ =	sfence  }
0xb7: {  	s30 =	sld [smem:$0x0];
	_ =	sdelay $0x2  }
0xb8: {  	s31 =	sshll.u32 s1, $0xD;
	s1 =	sshrl.u32 s1, $0x2  }
0xb9: {  	s3 =	sand.u32 $0x4000, s31;
	s1 =	sadd.s32 s1, s30  }
0xba: {  	s0 =	sor.u32 s3, s0;
	s1 =	sshll.u32 s1, $0x11  }
0xbb: {  	s0 =	sor.u32 s1, s0  }
0xbc: {  	s0 =	sadd.s32 $0x8F2B, s0  }
0xbd: {  	[sflag:s0] =	ssyncadd.remote.s32 $0x1  }
0xbe: {  	_ =	sfence.sel $0xFFFF  }
0xbf: {  	[dreg:$0x0] =	wrdreg $0xFFFFFFFF;
	(pc) =	sbr.abs _section_cstart, $3  }
0xc0: {  	[dreg:$0x1] =	wrdreg $0xFFFFFFFF  }
0xc1: {  	_ =	task.clear_ibuf [dreg:s7], $0x2FFFF;
	_ =	strace $0x9FFFFFFF  }
0xc2: {  	(tm) =	ssettm $0x7FFFFFFF  }
0xc3: {  	_ =	shalt  }
tec
execute0_lowered:
.L_overlay_start_1:
0x0: {  	(tag) =	ssettag $0x1  }
0x1: {  	s0 =	rddreg [dreg:$0x0]  }
0x2: {  	s1 =	rddreg [dreg:$0x1];
	s2 =	simm.s32 $0x0  }
0x3: {  	s3 =	srdreg.scid;
	s5 =	stileid.u32;
	s11 =	simm.s32 $0x3  }
0x4: {  	s12 =	simm.s32 $0x8000;
	s13 =	simm.s32 $0x80;
	s14 =	simm.s32 $0x8400  }
0x5: {  	s21 =	simm.s32 $0x8200;
	s22 =	simm.s32 $0x10400;
	s23 =	simm.s32 $0x8280  }
0x6: {  	s24 =	simm.s32 $0x12400;
	s28 =	simm.s32 $0x8380;
	s29 =	simm.s32 $0x16400  }
0x7: {  	s30 =	simm.s32 $0x1;
	s31 =	simm.s32 $0x2;
	[smem:$0x7FF] =	sst s2  }
0x8: {  	s4 =	sadd.s32 $0xC00, s0;
	s3 =	sand.u32 $0x1, s3;
	s6 =	sshll.u32 s5, $0x6  }
0x9: {  	s5 =	sadd.s32 $0xF43000, s0;
	s8 =	ssub.s32 $0x2, s3;
	s3 =	sshll.u32 s3, $0x5  }
0xa: {  	s7 =	sadd.s32 $0x10C00, s0;
	s9 =	sshrl.u32 s8, $0x1;
	s6 =	sor.u32 s3, s6  }
0xb: {  	_ =	strace $0x80000047;
	s25 =	ssub.s32 s8, s9;
	s26 =	sshll.u32 s6, $0x6  }
0xc: {  	s9 =	sadd.s32 $0xC80, s0;
	s0 =	simm.s32 $0x0;
	s8 =	sadd.s32 s4, s26  }
0xd: {  	s10 =	smax.u32 s25, $0x1;
	s25 =	simm.s32 $0x8300;
	s26 =	simm.s32 $0x14400  }
.LBB2_1:
0xe: {  	[tilespmem:s2], [sflag:$0x3] =	stream.linear.gather [hbm4b:s7+s2], $0x8000, $0x38;
	[tilespmem:$0x18400] =	vst v63  }
0xf: {  	_ =	swait.ge [sflag:s11], $0x8000  }
0x10: {  	[sflag:s11] =	ssyncset.done $0x0  }
0x11: {  	[sflag:s11] =	ssyncadd.s32 $0xFFFF8000  }
0x12: {  	[tilespmem:s12], [sflag:$0x3] =	stream.linear.gather [hbm4b:s8+s2], $0x200, $0x38;
	[tilespmem:$0x18400] =	vst v63  }
0x13: {  	_ =	swait.ge [sflag:s11], $0x200  }
0x14: {  	[sflag:s11] =	ssyncset.done $0x0  }
0x15: {  	[sflag:s11] =	ssyncadd.s32 $0xFFFFFE00  }
0x16: {  	[tilespmem:s14], [sflag:$0x1] =	stream.indirect.gather [hbm4b:s5+s13], $0x40, s12, s13, $0xb8;
	[tilespmem:$0x18400] =	vst v63  }
0x17: {  	s3 =	simm.s32 $0x8080;
	s15 =	simm.s32 $0xA400  }
0x18: {  	[tilespmem:s15], [sflag:$0x1] =	stream.indirect.gather [hbm4b:s5+s13], $0x40, s3, s13, $0xb8;
	[tilespmem:$0x18400] =	vst v63  }
0x19: {  	s17 =	simm.s32 $0x8100;
	s18 =	simm.s32 $0xC400  }
0x1a: {  	[tilespmem:s18], [sflag:$0x1] =	stream.indirect.gather [hbm4b:s5+s13], $0x40, s17, s13, $0xb8;
	[tilespmem:$0x18400] =	vst v63  }
0x1b: {  	s19 =	simm.s32 $0x8180;
	s20 =	simm.s32 $0xE400;
	s3 =	simm.s32 $0x0  }
0x1c: {  	[tilespmem:s20], [sflag:$0x1] =	stream.indirect.gather [hbm4b:s5+s13], $0x40, s19, s13, $0xb8;
	[tilespmem:$0x18400] =	vst v63  }
.LBB2_2:
0x1d: {  	s15 =	sshll.u32 s3, $0x1  }
0x1e: {  	s16 =	sadd.s32 s6, s15  }
0x1f: {  	s15 =	sor.u32 $0x1, s16  }
0x20: {  	s17 =	sshll.u32 s15, $0x6  }
0x21: {  	s17 =	sand.u32 $0x1FFFFFC0, s17  }
0x22: {  	s17 =	sadd.s32 s4, s17  }
0x23: {  	[tilespmem:s21], [sflag:$0x3] =	stream.linear.gather [hbm4b:s17+s2], $0x200, $0x38;
	[tilespmem:$0x18400] =	vst v63  }
0x24: {  	_ =	swait.ge [sflag:s11], $0x200  }
0x25: {  	[sflag:s11] =	ssyncset.done $0x0  }
0x26: {  	s17 =	simm.s32 $0x80;
	[sflag:s11] =	ssyncadd.s32 $0xFFFFFE00  }
0x27: {  	[tilespmem:s22], [sflag:$0x2] =	stream.indirect.gather [hbm4b:s5+s17], $0x40, s21, s17, $0xb8;
	[tilespmem:$0x18400] =	vst v63  }
0x28: {  	_ = 	snop  }
0x29: {  	[tilespmem:s24], [sflag:$0x2] =	stream.indirect.gather [hbm4b:s5+s17], $0x40, s23, s17, $0xb8;
	[tilespmem:$0x18400] =	vst v63  }
0x2a: {  	_ = 	snop  }
0x2b: {  	[tilespmem:s26], [sflag:$0x2] =	stream.indirect.gather [hbm4b:s5+s17], $0x40, s25, s17, $0xb8;
	[tilespmem:$0x18400] =	vst v63  }
0x2c: {  	_ = 	snop  }
0x2d: {  	[tilespmem:s29], [sflag:$0x2] =	stream.indirect.gather [hbm4b:s5+s17], $0x40, s28, s17, $0xb8;
	[tilespmem:$0x18400] =	vst v63  }
0x2e: {  	_ =	swait.ge [sflag:s30], $0x2000  }
0x2f: {  	[sflag:s30] =	ssyncset.done $0x0  }
0x30: {  	[sflag:s30] =	ssyncadd.s32 $0xFFFFE000  }
0x31: {  	_ =	swait.ge [sflag:s30], $0x2000  }
0x32: {  	[sflag:s30] =	ssyncset.done $0x0  }
0x33: {  	[sflag:s30] =	ssyncadd.s32 $0xFFFFE000  }
0x34: {  	_ =	swait.ge [sflag:s30], $0x2000  }
0x35: {  	[sflag:s30] =	ssyncset.done $0x0  }
0x36: {  	[sflag:s30] =	ssyncadd.s32 $0xFFFFE000  }
0x37: {  	_ =	swait.ge [sflag:s30], $0x2000  }
0x38: {  	[sflag:s30] =	ssyncset.done $0x0  }
0x39: {  	s18 =	simm.s32 $0x8480;
	[sflag:s30] =	ssyncadd.s32 $0xFFFFE000  }
0x3a: {  	v0 =	vld [tilespmem:s18+$0x40]  }
0x3b: {  	v1 =	vld [tilespmem:s17+$0x40]  }
0x3c: {  	v2 =	vld [tilespmem:s18+$0xFFFFFFC0]  }
0x3d: {  	v3 =	vld [tilespmem:s17+$0xFFFFFFC0]  }
0x3e: {  	v4 =	vld [tilespmem:s18+$0x0]  }
0x3f: {  	v5 =	vld [tilespmem:s17+$0x0]  }
0x40: {  	v6 =	vld [tilespmem:s18+$0xFFFFFF80];
	v0 =	vadd.f32 v1, v0  }
0x41: {  	v1 =	vld [tilespmem:s17+$0xFFFFFF80]  }
0x42: {  	[tilespmem:s18+$0x40] =	vst v0;
	v0 =	vld [tilespmem:s18+$0x50]  }
0x43: {  	v2 =	vadd.f32 v3, v2;
	v3 =	vld [tilespmem:s17+$0x50]  }
0x44: {  	v7 =	vld [tilespmem:s18+$0xFFFFFF90]  }
0x45: {  	[tilespmem:s18+$0xFFFFFFC0] =	vst v2;
	v2 =	vadd.f32 v5, v4;
	v4 =	vld [tilespmem:s18+$0xFFFFFFD0]  }
0x46: {  	v5 =	vld [tilespmem:s17+$0xFFFFFFD0];
	v1 =	vadd.f32 v1, v6  }
0x47: {  	[tilespmem:s18+$0x0] =	vst v2;
	v2 =	vld [tilespmem:s18+$0x10]  }
0x48: {  	v6 =	vld [tilespmem:s17+$0x10];
	[tilespmem:s18+$0xFFFFFF80] =	vst v1;
	v0 =	vadd.f32 v3, v0  }
0x49: {  	v1 =	vld [tilespmem:s17+$0xFFFFFF90]  }
0x4a: {  	[tilespmem:s18+$0x50] =	vst v0;
	v0 =	vld [tilespmem:s18+$0x60]  }
0x4b: {  	v3 =	vadd.f32 v5, v4;
	v4 =	vld [tilespmem:s17+$0x60]  }
0x4c: {  	v5 =	vld [tilespmem:s18+$0xFFFFFFA0]  }
0x4d: {  	[tilespmem:s18+$0xFFFFFFD0] =	vst v3;
	v2 =	vadd.f32 v6, v2;
	v3 =	vld [tilespmem:s18+$0xFFFFFFE0]  }
0x4e: {  	v6 =	vld [tilespmem:s17+$0xFFFFFFE0];
	v1 =	vadd.f32 v1, v7  }
0x4f: {  	[tilespmem:s18+$0x10] =	vst v2;
	v2 =	vld [tilespmem:s18+$0x20]  }
0x50: {  	v7 =	vld [tilespmem:s17+$0x20];
	[tilespmem:s18+$0xFFFFFF90] =	vst v1;
	v0 =	vadd.f32 v4, v0  }
0x51: {  	v4 =	vld [tilespmem:s17+$0xFFFFFFA0]  }
0x52: {  	v8 =	vld [tilespmem:s18+$0x70];
	[tilespmem:s18+$0x60] =	vst v0  }
0x53: {  	v1 =	vadd.f32 v6, v3;
	v6 =	vld [tilespmem:s17+$0x70]  }
0x54: {  	v0 =	vld [tilespmem:s18+$0xFFFFFFB0]  }
0x55: {  	[tilespmem:s18+$0xFFFFFFE0] =	vst v1;
	v2 =	vadd.f32 v7, v2;
	v1 =	vld [tilespmem:s18+$0xFFFFFFF0]  }
0x56: {  	v3 =	vld [tilespmem:s17+$0xFFFFFFF0];
	v4 =	vadd.f32 v4, v5  }
0x57: {  	[tilespmem:s18+$0x20] =	vst v2;
	v2 =	vld [tilespmem:s18+$0x30]  }
0x58: {  	[tilespmem:s18+$0xFFFFFFA0] =	vst v4;
	v4 =	vld [tilespmem:s17+$0x30];
	v6 =	vadd.f32 v6, v8  }
0x59: {  	s19 =	simm.s32 $0x0;
	s20 =	simm.s32 $0x8580;
	v5 =	vld [tilespmem:s17+$0xFFFFFFB0]  }
.LBB2_3:
0x5a: {  	v7 =	vld [tilespmem:s20+$0x40];
	[tilespmem:s18+$0x70] =	vst v6;
	s17 =	sadd.s32 $0x100, s17  }
0x5b: {  	s19 =	sadd.s32 $0x4, s19;
	v6 =	vld [tilespmem:s17+$0x40];
	v1 =	vadd.f32 v3, v1  }
0x5c: {  	p0 =	slt.u32 s19, $0x1FC;
	v3 =	vld [tilespmem:s17+$0xFFFFFF80]  }
0x5d: {  	v8 =	vld [tilespmem:s20+$0xFFFFFFC0];
	[tilespmem:s18+$0xFFFFFFF0] =	vst v1;
	v1 =	vadd.f32 v4, v2  }
0x5e: {  	v2 =	vld [tilespmem:s17+$0xFFFFFFC0];
	v0 =	vadd.f32 v5, v0  }
0x5f: {  	v4 =	vld [tilespmem:s20+$0x0];
	[tilespmem:s18+$0x30] =	vst v1  }
0x60: {  	v1 =	vld [tilespmem:s17+$0x0];
	v5 =	vadd.f32 v6, v7;
	[tilespmem:s18+$0xFFFFFFB0] =	vst v0;
	s18 =	smov.u32 s20  }
0x61: {  	v0 =	vld [tilespmem:s20+$0xFFFFFF80]  }
0x62: {  	[tilespmem:s20+$0x40] =	vst v5;
	v5 =	vld [tilespmem:s20+$0x50]  }
0x63: {  	v2 =	vadd.f32 v2, v8;
	v6 =	vld [tilespmem:s17+$0x50]  }
0x64: {  	v7 =	vld [tilespmem:s20+$0xFFFFFF90]  }
0x65: {  	[tilespmem:s20+$0xFFFFFFC0] =	vst v2;
	v2 =	vld [tilespmem:s20+$0xFFFFFFD0];
	v1 =	vadd.f32 v1, v4  }
0x66: {  	v0 =	vadd.f32 v3, v0;
	v3 =	vld [tilespmem:s17+$0xFFFFFFD0]  }
0x67: {  	[tilespmem:s20+$0x0] =	vst v1;
	v1 =	vld [tilespmem:s20+$0x10]  }
0x68: {  	[tilespmem:s20+$0xFFFFFF80] =	vst v0;
	v0 =	vld [tilespmem:s17+$0x10];
	v4 =	vadd.f32 v6, v5  }
0x69: {  	v5 =	vld [tilespmem:s17+$0xFFFFFF90]  }
0x6a: {  	[tilespmem:s20+$0x50] =	vst v4;
	v4 =	vld [tilespmem:s20+$0x60]  }
0x6b: {  	v2 =	vadd.f32 v3, v2;
	v3 =	vld [tilespmem:s17+$0x60]  }
0x6c: {  	v6 =	vld [tilespmem:s20+$0xFFFFFFA0]  }
0x6d: {  	[tilespmem:s20+$0xFFFFFFD0] =	vst v2;
	v2 =	vld [tilespmem:s20+$0xFFFFFFE0];
	v0 =	vadd.f32 v0, v1  }
0x6e: {  	v1 =	vadd.f32 v5, v7;
	v5 =	vld [tilespmem:s17+$0xFFFFFFE0]  }
0x6f: {  	[tilespmem:s20+$0x10] =	vst v0;
	v7 =	vld [tilespmem:s20+$0x20]  }
0x70: {  	[tilespmem:s20+$0xFFFFFF90] =	vst v1;
	v8 =	vld [tilespmem:s17+$0x20];
	v0 =	vadd.f32 v3, v4  }
0x71: {  	v3 =	vld [tilespmem:s17+$0xFFFFFFA0]  }
0x72: {  	[tilespmem:s20+$0x60] =	vst v0;
	v9 =	vld [tilespmem:s20+$0x70]  }
0x73: {  	v1 =	vadd.f32 v5, v2;
	v5 =	vld [tilespmem:s17+$0x70]  }
0x74: {  	v0 =	vld [tilespmem:s20+$0xFFFFFFB0]  }
.Ltmp0:
0x75: {  	[tilespmem:s20+$0xFFFFFFE0] =	vst v1;
	v1 =	vld [tilespmem:s20+$0xFFFFFFF0];
	v2 =	vadd.f32 v8, v7;
	(pc) =	sbr.rel @p0 .LBB2_3-.Ltmp0, $4  }
0x76: {  	v4 =	vadd.f32 v3, v6;
	v3 =	vld [tilespmem:s17+$0xFFFFFFF0]  }
0x77: {  	[tilespmem:s20+$0x20] =	vst v2;
	v2 =	vld [tilespmem:s20+$0x30]  }
0x78: {  	[tilespmem:s20+$0xFFFFFFA0] =	vst v4;
	v4 =	vld [tilespmem:s17+$0x30];
	v6 =	vadd.f32 v5, v9  }
0x79: {  	s20 =	sadd.s32 $0x100, s20;
	v5 =	vld [tilespmem:s17+$0xFFFFFFB0]  }
0x7a: {  	_ =	sdelay $0x1  }
0x7b: {  	v1 =	vadd.f32 v3, v1  }
0x7c: {  	[tilespmem:s18+$0x70] =	vst v6;
	v2 =	vadd.f32 v4, v2  }
0x7d: {  	[tilespmem:s18+$0xFFFFFFF0] =	vst v1;
	v0 =	vadd.f32 v5, v0  }
0x7e: {  	s17 =	sshll.u32 s16, $0xC;
	[tilespmem:s18+$0x30] =	vst v2  }
0x7f: {  	p0 =	seq.s32 s3, $0xF;
	s17 =	sadd.s32 s1, s17;
	[tilespmem:s18+$0xFFFFFFB0] =	vst v0  }
0x80: {  	[hbm4b:s17+s2] =	stream.linear.scatter [tilespmem:s14], [sflag:$0x3], $0x8000, $0x38;
	[tilespmem:$0x18400] =	vst v63  }
0x81: {  	s16 =	sshll.u32 @!p0 s16, $0x6;
	_ =	swait.ge [sflag:s11], $0x8000  }
0x82: {  	s16 =	sadd.s32 @!p0 s16, s9;
	[sflag:s11] =	ssyncset.done $0x0  }
0x83: {  	s18 =	simm.s32 @!p0 $0x8000;
	s17 =	simm.s32 @!p0 $0x0;
	[sflag:s11] =	ssyncadd.s32 $0xFFFF8000  }
0x84: {  	[tilespmem:s18], [sflag:$0x3] =	stream.linear.gather @!p0 [hbm4b:s16+s17], $0x200, $0x38;
	[tilespmem:$0x18400] =	vst v63  }
0x85: {  	s16 =	simm.s32 @!p0 $0x3  }
0x86: {  	_ =	swait.ge @!p0 [sflag:s16], $0x200  }
0x87: {  	[sflag:s16] =	ssyncset.done @!p0 $0x0  }
0x88: {  	s17 =	simm.s32 @!p0 $0x8400;
	[sflag:s16] =	ssyncadd.s32 @!p0 $0xFFFFFE00;
	s16 =	simm.s32 @!p0 $0x80  }
0x89: {  	[tilespmem:s17], [sflag:$0x1] =	stream.indirect.gather @!p0 [hbm4b:s5+s16], $0x40, s18, s16, $0xb8;
	[tilespmem:$0x18400] =	vst v63  }
0x8a: {  	s17 =	simm.s32 @!p0 $0x8080;
	s18 =	simm.s32 @!p0 $0xA400  }
0x8b: {  	[tilespmem:s18], [sflag:$0x1] =	stream.indirect.gather @!p0 [hbm4b:s5+s16], $0x40, s17, s16, $0xb8;
	[tilespmem:$0x18400] =	vst v63  }
0x8c: {  	s17 =	simm.s32 @!p0 $0x8100;
	s18 =	simm.s32 @!p0 $0xC400  }
0x8d: {  	[tilespmem:s18], [sflag:$0x1] =	stream.indirect.gather @!p0 [hbm4b:s5+s16], $0x40, s17, s16, $0xb8;
	[tilespmem:$0x18400] =	vst v63  }
0x8e: {  	s17 =	simm.s32 @!p0 $0x8180;
	s18 =	simm.s32 @!p0 $0xE400  }
0x8f: {  	[tilespmem:s18], [sflag:$0x1] =	stream.indirect.gather @!p0 [hbm4b:s5+s16], $0x40, s17, s16, $0xb8;
	[tilespmem:$0x18400] =	vst v63  }
0x90: {  	_ =	swait.ge [sflag:s31], $0x2000  }
0x91: {  	[sflag:s31] =	ssyncset.done $0x0  }
0x92: {  	[sflag:s31] =	ssyncadd.s32 $0xFFFFE000  }
0x93: {  	_ =	swait.ge [sflag:s31], $0x2000  }
0x94: {  	[sflag:s31] =	ssyncset.done $0x0  }
0x95: {  	[sflag:s31] =	ssyncadd.s32 $0xFFFFE000  }
0x96: {  	_ =	swait.ge [sflag:s31], $0x2000  }
0x97: {  	[sflag:s31] =	ssyncset.done $0x0  }
0x98: {  	[sflag:s31] =	ssyncadd.s32 $0xFFFFE000  }
0x99: {  	_ =	swait.ge [sflag:s31], $0x2000  }
0x9a: {  	[sflag:s31] =	ssyncset.done $0x0  }
0x9b: {  	s16 =	simm.s32 $0x0;
	[sflag:s31] =	ssyncadd.s32 $0xFFFFE000  }
0x9c: {  	v0 =	vld [tilespmem:s16+$0x104F0]  }
0x9d: {  	v1 =	vld [tilespmem:s16+$0xF0]  }
0x9e: {  	v2 =	vld [tilespmem:s16+$0x10400]  }
0x9f: {  	v3 =	vld [tilespmem:s16+$0x0]  }
0xa0: {  	v4 =	vld [tilespmem:s16+$0x10410]  }
0xa1: {  	v5 =	vld [tilespmem:s16+$0x10]  }
0xa2: {  	v6 =	vld [tilespmem:s16+$0x10420]  }
0xa3: {  	v7 =	vld [tilespmem:s16+$0x20]  }
0xa4: {  	v8 =	vld [tilespmem:s16+$0x10430]  }
0xa5: {  	v9 =	vld [tilespmem:s16+$0x30]  }
0xa6: {  	v10 =	vld [tilespmem:s16+$0x10440]  }
0xa7: {  	v11 =	vld [tilespmem:s16+$0x40]  }
0xa8: {  	v12 =	vld [tilespmem:s16+$0x10450]  }
0xa9: {  	v13 =	vld [tilespmem:s16+$0x50]  }
0xaa: {  	v14 =	vld [tilespmem:s16+$0x10460]  }
0xab: {  	v15 =	vld [tilespmem:s16+$0x60]  }
0xac: {  	v16 =	vld [tilespmem:s16+$0x10470]  }
0xad: {  	v61 =	vld [tilespmem:s16+$0xA0];
	v0 =	vadd.f32 v1, v0  }
0xae: {  	v1 =	vld [tilespmem:s16+$0x70];
	v2 =	vadd.f32 v3, v2  }
0xaf: {  	v3 =	vld [tilespmem:s16+$0x10480];
	[tilespmem:s16+$0x104F0] =	vst v0;
	v0 =	vadd.f32 v5, v4  }
0xb0: {  	v4 =	vld [tilespmem:s16+$0x80];
	[tilespmem:s16+$0x10400] =	vst v2;
	v2 =	vadd.f32 v7, v6  }
0xb1: {  	v5 =	vld [tilespmem:s16+$0x10490];
	[tilespmem:s16+$0x10410] =	vst v0;
	v0 =	vadd.f32 v9, v8  }
0xb2: {  	v6 =	vld [tilespmem:s16+$0x90];
	[tilespmem:s16+$0x10420] =	vst v2;
	v2 =	vadd.f32 v11, v10  }
0xb3: {  	v7 =	vld [tilespmem:s16+$0x104A0];
	v1 =	vadd.f32 v1, v16;
	[tilespmem:s16+$0x10430] =	vst v0  }
0xb4: {  	v62 =	vld [tilespmem:s16+$0x104B0];
	v0 =	vadd.f32 v13, v12;
	[tilespmem:s16+$0x10440] =	vst v2  }
0xb5: {  	v63 =	vld [tilespmem:s16+$0xB0];
	v2 =	vadd.f32 v15, v14;
	[tilespmem:s16+$0x10470] =	vst v1  }
0xb6: {  	v3 =	vadd.f32 v4, v3;
	[tilespmem:s16+$0x10450] =	vst v0;
	v0 =	vld [tilespmem:s16+$0x104C0]  }
0xb7: {  	v4 =	vadd.f32 v6, v5;
	[tilespmem:s16+$0x10460] =	vst v2;
	v2 =	vld [tilespmem:s16+$0xC0]  }
0xb8: {  	v5 =	vadd.f32 v61, v7;
	v1 =	vld [tilespmem:s16+$0x104D0];
	[tilespmem:s16+$0x10480] =	vst v3  }
0xb9: {  	[tilespmem:s16+$0x10490] =	vst v4;
	v3 =	vld [tilespmem:s16+$0xD0]  }
0xba: {  	s17 =	simm.s32 $0x0;
	s18 =	simm.s32 $0x400;
	[tilespmem:s16+$0x104A0] =	vst v5;
	v5 =	vadd.f32 v63, v62;
	v4 =	vld [tilespmem:s16+$0x104E0]  }
.LBB2_5:
0xbb: {  	s19 =	sshra.s32 s18, $0x2;
	v6 =	vld [tilespmem:s16+$0xE0]  }
0xbc: {  	s17 =	sadd.s32 $0x4, s17;
	v7 =	vld [tilespmem:s19+$0x104F0];
	[tilespmem:s16+$0x104B0] =	vst v5;
	v0 =	vadd.f32 v2, v0  }
0xbd: {  	p0 =	slt.u32 s17, $0x1FC;
	v2 =	vld [tilespmem:s19+$0xF0]  }
0xbe: {  	v5 =	vld [tilespmem:s19+$0x10400];
	[tilespmem:s16+$0x104C0] =	vst v0;
	v0 =	vadd.f32 v3, v1  }
0xbf: {  	v1 =	vld [tilespmem:s19+$0x0]  }
0xc0: {  	v3 =	vld [tilespmem:s19+$0x10410];
	[tilespmem:s16+$0x104D0] =	vst v0;
	v0 =	vadd.f32 v6, v4  }
0xc1: {  	v4 =	vld [tilespmem:s19+$0x10]  }
0xc2: {  	v6 =	vld [tilespmem:s19+$0x10420];
	v2 =	vadd.f32 v2, v7;
	[tilespmem:s16+$0x104E0] =	vst v0;
	s16 =	smov.u32 s19  }
0xc3: {  	v0 =	vld [tilespmem:s16+$0x20]  }
0xc4: {  	v1 =	vadd.f32 v1, v5;
	v5 =	vld [tilespmem:s16+$0x10430];
	[tilespmem:s16+$0x104F0] =	vst v2  }
0xc5: {  	v2 =	vld [tilespmem:s16+$0x30]  }
0xc6: {  	[tilespmem:s16+$0x10400] =	vst v1;
	v1 =	vadd.f32 v4, v3;
	v3 =	vld [tilespmem:s16+$0x10440]  }
0xc7: {  	v4 =	vld [tilespmem:s16+$0x40]  }
0xc8: {  	[tilespmem:s16+$0x10410] =	vst v1;
	v0 =	vadd.f32 v0, v6;
	v1 =	vld [tilespmem:s16+$0x10450]  }
0xc9: {  	v6 =	vld [tilespmem:s16+$0x50]  }
0xca: {  	[tilespmem:s16+$0x10420] =	vst v0;
	v0 =	vadd.f32 v2, v5;
	v2 =	vld [tilespmem:s16+$0x10460]  }
0xcb: {  	v5 =	vld [tilespmem:s16+$0x60]  }
0xcc: {  	[tilespmem:s16+$0x10430] =	vst v0;
	v0 =	vadd.f32 v4, v3;
	v3 =	vld [tilespmem:s16+$0x10470]  }
0xcd: {  	v4 =	vld [tilespmem:s16+$0x70]  }
0xce: {  	[tilespmem:s16+$0x10440] =	vst v0;
	v0 =	vadd.f32 v6, v1;
	v1 =	vld [tilespmem:s16+$0x10480]  }
0xcf: {  	v6 =	vld [tilespmem:s16+$0x80]  }
0xd0: {  	[tilespmem:s16+$0x10450] =	vst v0;
	v0 =	vadd.f32 v5, v2;
	v2 =	vld [tilespmem:s16+$0x10490]  }
0xd1: {  	v5 =	vld [tilespmem:s16+$0x90]  }
0xd2: {  	[tilespmem:s16+$0x10460] =	vst v0;
	v0 =	vadd.f32 v4, v3;
	v3 =	vld [tilespmem:s16+$0x104A0]  }
0xd3: {  	v4 =	vld [tilespmem:s16+$0xA0]  }
0xd4: {  	[tilespmem:s16+$0x10470] =	vst v0;
	v0 =	vadd.f32 v6, v1;
	v6 =	vld [tilespmem:s16+$0x104B0]  }
0xd5: {  	v7 =	vld [tilespmem:s16+$0xB0]  }
.Ltmp1:
0xd6: {  	[tilespmem:s16+$0x10480] =	vst v0;
	v1 =	vadd.f32 v5, v2;
	v0 =	vld [tilespmem:s16+$0x104C0];
	(pc) =	sbr.rel @p0 .LBB2_5-.Ltmp1, $4  }
0xd7: {  	v2 =	vld [tilespmem:s16+$0xC0]  }
0xd8: {  	[tilespmem:s16+$0x10490] =	vst v1;
	v4 =	vadd.f32 v4, v3;
	v1 =	vld [tilespmem:s16+$0x104D0]  }
0xd9: {  	v3 =	vld [tilespmem:s16+$0xD0]  }
0xda: {  	s18 =	sadd.s32 $0x400, s18;
	[tilespmem:s16+$0x104A0] =	vst v4;
	v5 =	vadd.f32 v7, v6;
	v4 =	vld [tilespmem:s16+$0x104E0]  }
0xdb: {  	v6 =	vld [tilespmem:s16+$0xE0];
	_ =	sdelay $0x2  }
0xdc: {  	v0 =	vadd.f32 v2, v0  }
0xdd: {  	[tilespmem:s16+$0x104B0] =	vst v5;
	v1 =	vadd.f32 v3, v1  }
0xde: {  	s15 =	sshll.u32 s15, $0xC;
	s3 =	sadd.s32 $0x1, s3;
	[tilespmem:s16+$0x104C0] =	vst v0;
	v63 =	vadd.f32 v6, v4  }
0xdf: {  	s15 =	sand.u32 $0x1FFFF000, s15;
	p0 =	sne.s32 s3, $0x10;
	[tilespmem:s16+$0x104D0] =	vst v1  }
.Ltmp2:
0xe0: {  	s15 =	sadd.s32 s1, s15;
	[tilespmem:s16+$0x104E0] =	vst v63;
	(pc) =	sbr.rel @p0 .LBB2_2-.Ltmp2, $4  }
0xe1: {  	[hbm4b:s15+s2] =	stream.linear.scatter [tilespmem:s22], [sflag:$0x3], $0x8000, $0x38;
	[tilespmem:$0x18400] =	vst v63  }
0xe2: {  	_ =	swait.ge [sflag:s11], $0x8000  }
0xe3: {  	[sflag:s11] =	ssyncset.done $0x0  }
0xe4: {  	[sflag:s11] =	ssyncadd.s32 $0xFFFF8000  }
0xe5: {  	s0 =	sadd.s32 $0x1, s0  }
0xe6: {  	p0 =	sne.s32 s0, s10  }
.Ltmp3:
0xe7: {  	_ = 	snop;
	(pc) =	sbr.rel @p0 .LBB2_1-.Ltmp3, $1  }
0xe8: {  	_ =	sdelay $0x3  }
0xe9: {  	_ =	sfence.sel $0x180000  }
0xea: {  	[bflag:$0x0] =	sbarrier.arrive $0xFFFF  }
0xeb: {  	_ =	strace $0x90000047  }
0xec: {  	s0 =	stileid.u32;
	[bflag:$0x2] =	sbarrier.arrive $0xFFFF  }
0xed: {  	p0 =	sne.s32 s0, $0x0;
	s0 =	rddreg [dreg:$0x2]  }
0xee: {  	s0 =	sadd.s32 @!p0 $0x100000, s0  }
0xef: {  	[sflag:s0] =	ssyncadd.tile.s32 @!p0 $0x1;
	_ =	shalt  }
.Lfunc_end2:
_tile_overlayer_lowered:
.L_overlay_start_2:
0xf0: {  	(tag) =	ssettag $0x2  }
0xf1: {  	s0 =	rddreg [dreg:$0x0];
	s2 =	stileid.u32  }
0xf2: {  	s1 =	rddreg [dreg:$0x1];
	p0 =	sne.s32 s2, $0x0  }
0xf3: {  	s3 =	rddreg [dreg:$0x2];
	[bflag:$0x3] =	sbarrier.arrive $0xFFFF;
	s2 =	simm.s32 @!p0 $0x1C03  }
0xf4: {  	[timem:s3], [sflag:s2] =	dma.local @!p0 [hbm:s0], s1  }
0xf5: {  	s0 =	simm.s32 @!p0 $0x3  }
0xf6: {  	_ =	swait.ge @!p0 [sflag:s0], s1  }
0xf7: {  	s1 =	ssub.s32 @!p0 $0x0, s1;
	[sflag:s0] =	ssyncset.done @!p0 $0x0  }
0xf8: {  	[sflag:s0] =	ssyncadd.s32 @!p0 s1  }
0xf9: {  	[bflag:$0x3] =	sbarrier.arrive $0xFFFF  }
0xfa: {  	_ =	shalt  }

// kernel: sparse-core-data-format-call.cloned.1.call-start
scs
called_computation_lowered:
.L_overlay_start_0:
0x0: {  	s2 =	sld [smem:$0x3FD9]  }
0x1: {  	s3 =	sld [smem:$0x3FFE];
	_ =	sdelay $0x1  }
0x2: {  	s1 =	srdreg.scid  }
0x3: {  	s0 =	sand.u32 $0x1, s1  }
0x4: {  	s18 =	sshll.u32 s0, $0xA;
	s2 =	sadd.s32 s3, s2  }
0x5: {  	s2 =	sadd.s32 s2, s18  }
0x6: {  	[smem:$0x3FC5] =	sst s2  }
0x7: {  	_ = 	snop  }
0x8: {  	s2 =	sld [smem:$0x3FD0];
	(tm) =	ssettm $0x1  }
0x9: {  	s19 =	sld [smem:$0x3FFB];
	_ =	sdelay $0x3  }
0xa: {  	_ =	strace s19  }
0xb: {  	s3 =	sld [smem:$0x3FFC];
	_ =	sdelay $0x3  }
0xc: {  	_ =	strace s3  }
0xd: {  	s3 =	sld [smem:$0x3FFD];
	_ =	sdelay $0x3  }
0xe: {  	_ =	strace s3  }
0xf: {  	_ =	strace $0x8FFFFFFF  }
0x10: {  	s20 =	sld [smem:$0x3FDB];
	_ =	sdelay $0x1  }
0x11: {  	s4 =	simm.s32 $_scs_section_size  }
0x12: {  	s5 =	simm.s32 $_size__tile_overlayer_lowered;
	s6 =	simm.s32 $_tile_overlayer_lowered  }
0x13: {  	s23 =	simm.s32 $0x1BFF;
	s22 =	sshll.u32 s6, $0x1;
	s3 =	sadd.s32 s4, s20  }
0x14: {  	s7 =	simm.s32 $0x0;
	s21 =	sshll.u32 s5, $0x1;
	s5 =	sadd.s32 s22, s3  }
0x15: {  	[timem:s7], [sflag:s23] =	dma.local [hbm:s5], s21  }
0x16: {  	_ =	swait.ge [sflag:s23], s21  }
0x17: {  	s4 =	ssub.s32 $0x0, s21;
	[sflag:s23] =	ssyncset.done $0x0  }
0x18: {  	[sflag:s23] =	ssyncadd.s32 s4;
	_ =	sdelay $0x1  }
0x19: {  	s24 =	simm.s32 $0x1B8B  }
0x1a: {  	_ =	swait.ge [sflag:s24], $0x1  }
0x1b: {  	[sflag:s24] =	ssyncset.done $0x0  }
0x1c: {  	s26 =	simm.s32 $0x1B8E;
	s25 =	sld [smem:$0x3FFE];
	[sflag:s24] =	ssyncadd.s32 $0xFFFFFFFF  }
0x1d: {  	s27 =	simm.s32 $execute0_lowered;
	[smem:$0x3FD2] =	sst s26  }
0x1e: {  	s5 =	sshll.u32 s27, $0x1;
	_ =	strace $0x80000049;
	[dreg:$0x1] =	wrdreg $0xFFFFFFFF  }
0x1f: {  	s28 =	simm.s32 $_size_execute0_lowered;
	s3 =	sadd.s32 s3, s5;
	[dreg:$0x0] =	wrdreg $0x0  }
0x20: {  	s5 =	sshll.u32 s28, $0x1;
	[dreg:$0x2] =	wrdreg s3  }
0x21: {  	[dreg:$0x3] =	wrdreg s5  }
0x22: {  	[dreg:$0x4] =	wrdreg $0xC0  }
0x23: {  	_ =	task [dreg:s7], $0x5FFFF  }
0x24: {  	[dreg:$0x1] =	wrdreg $0xFFFFFFFF  }
0x25: {  	[dreg:$0x0] =	wrdreg $0x60  }
0x26: {  	[dreg:$0x2] =	wrdreg s25  }
0x27: {  	[dreg:$0x3] =	wrdreg s2  }
0x28: {  	[dreg:$0x4] =	wrdreg $0x9  }
0x29: {  	_ =	task.clear_ibuf [dreg:s7], $0x5FFFF;
	_ =	strace $0x90000049  }
0x2a: {  	s29 =	simm.s32 $0x9;
	_ =	strace $0x8000004B  }
0x2b: {  	_ =	swait.ge [sflag:s29], $0x1  }
0x2c: {  	[sflag:s29] =	ssyncadd.s32 $0xFFFFFFFF  }
0x2d: {  	_ =	strace $0x9000004B  }
0x2e: {  	_ =	sfence  }
0x2f: {  	s30 =	sld [smem:$0x0];
	_ =	sdelay $0x2  }
0x30: {  	s31 =	sshll.u32 s1, $0xD;
	s1 =	sshrl.u32 s1, $0x2  }
0x31: {  	s3 =	sand.u32 $0x4000, s31;
	s1 =	sadd.s32 s1, s30  }
0x32: {  	s0 =	sor.u32 s3, s0;
	s1 =	sshll.u32 s1, $0x11  }
0x33: {  	s0 =	sor.u32 s1, s0  }
0x34: {  	s0 =	sadd.s32 $0x8F2B, s0  }
0x35: {  	[sflag:s0] =	ssyncadd.remote.s32 $0x1  }
0x36: {  	_ =	sfence.sel $0xFFFF  }
0x37: {  	[dreg:$0x0] =	wrdreg $0xFFFFFFFF;
	(pc) =	sbr.abs _section_cstart, $3  }
0x38: {  	[dreg:$0x1] =	wrdreg $0xFFFFFFFF  }
0x39: {  	_ =	task.clear_ibuf [dreg:s7], $0x2FFFF;
	_ =	strace $0x9FFFFFFF  }
0x3a: {  	(tm) =	ssettm $0x7FFFFFFF  }
0x3b: {  	_ =	shalt  }
tec
execute0_lowered:
.L_overlay_start_1:
0x0: {  	(tag) =	ssettag $0x1  }
0x1: {  	s0 =	srdreg.scid  }
0x2: {  	s7 =	rddreg [dreg:$0x0];
	s1 =	sshll.u32 s0, $0x4  }
0x3: {  	s3 =	rddreg [dreg:$0x1];
	s0 =	stileid.u32;
	s1 =	sand.u32 $0x10, s1  }
0x4: {  	s6 =	simm.s32 $0x1;
	s31 =	simm.s32 $0x2;
	s1 =	sor.u32 s0, s1  }
0x5: {  	s13 =	simm.s32 $0x0;
	s9 =	simm.s32 $0x1000;
	s2 =	sshll.u32 s1, $0x1  }
0x6: {  	s14 =	simm.s32 $0x0;
	s10 =	simm.s32 $0x0;
	s4 =	ssub.s32 $0x400, s2  }
0x7: {  	s12 =	simm.s32 $0x0;
	s1 =	rddreg [dreg:$0x2];
	s5 =	sand.u32 $0x3E, s4  }
.Ltmp0:
0x8: {  	_ =	strace $0x8000004A;
	p0 =	sne.s32 s5, $0x0;
	(pc) =	sbr.rel .LBB1_1-.Ltmp0, $4  }
0x9: {  	s11 =	smov.u32 s2;
	s8 =	sshrl.u32 s4, $0x6;
	s6 =	simm.s32 @!p0 $0x0  }
0xa: {  	s4 =	sadd.s32 $0xC00, s7;
	s5 =	simm.s32 $0x1;
	s6 =	sadd.s32 s6, s8  }
0xb: {  	s7 =	sadd.s32 $0x2C00, s7;
	[sflag:s5] =	ssyncpa.u1 $0x0;
	s6 =	sshll.u32 s6, $0x2  }
0xc: {  	p0 =	por $0x0, $0x0;
	[sflag:s31] =	ssyncpa.u1 $0x0;
	s8 =	sor.u32 $0x1, s6  }
.LBB1_7:
0xd: {  	s15 =	sadd.s32 $0x80, s10  }
0xe: {  	s13 =	sadd.s32 $0x40, s11;
	s17 =	smov.u32 s11;
	p2 =	sgt.s32 s15, $0x1FF  }
0xf: {  	s17 =	smov.u32 @p2 s13  }
0x10: {  	s15 =	simm.s32 @p2 $0x0;
	p2 =	sgt.s32 s17, $0x3FF  }
0x11: {  	s17 =	smov.u32 @p2 s2;
	p2 =	sne.s32 s12, s8  }
.Ltmp1:
0x12: {  	p1 =	slt.u32 s12, $0x2;
	(pc) =	sbr.rel @!p2 .LBB1_8-.Ltmp1, $4  }
0x13: {  	s16 =	simm.s32 @!p1 $0x2  }
0x14: {  	s14 =	smov.u32 s11;
	p0 =	por !p0, !p0;
	_ =	swait.ge @!p1 [sflag:s16], $0x4000  }
0x15: {  	s13 =	smov.u32 s10;
	[sflag:s16] =	ssyncset.done @!p1 $0x0;
	s10 =	smov.u32 s15  }
0x16: {  	s12 =	sadd.s32 $0x1, s12;
	[sflag:s16] =	ssyncadd.s32 @!p1 $0xFFFFC000;
	s11 =	smov.u32 s17  }
.LBB1_1:
0x17: {  	p1 =	sge.u32 s12, s6  }
0x18: {  	s15 =	sxor.u32 @!p1 $0xFFFFFFFF, s12;
	s16 =	sshll.u32 @!p1 s11, $0xD  }
0x19: {  	s17 =	sshll.u32 @!p1 s10, $0x4;
	s19 =	simm.s32 @!p1 $0x40;
	s20 =	simm.s32 @!p1 $0x80  }
0x1a: {  	s15 =	sshll.u32 @!p1 s15, $0xE;
	s17 =	sand.u32 @!p1 $0x1FF0, s17;
	s18 =	sadd.s32 @!p1 s4, s16  }
0x1b: {  	s16 =	sadd.s32 @!p1 s16, s7;
	s15 =	sand.u32 @!p1 $0x4000, s15;
	s18 =	sadd.s32 @!p1 s17, s18  }
0x1c: {  	[tilespmem:s15], [sflag:$0x1] =	stream.strided.gather @!p1 [hbm4b:s18+s19], $0x2000, s20, s19, $0x38;
	[tilespmem:$0x10100] =	vst v63  }
0x1d: {  	s31 =	sadd.s32 $0xFFFFFFFF, s12;
	s16 =	sadd.s32 @!p1 s17, s16;
	s15 =	sor.u32 @!p1 $0x2000, s15  }
0x1e: {  	[tilespmem:s15], [sflag:$0x1] =	stream.strided.gather @!p1 [hbm4b:s16+s19], $0x2000, s20, s19, $0x38;
	[tilespmem:$0x10100] =	vst v63  }
0x1f: {  	p1 =	sge.u32 s31, s6  }
.Ltmp2:
0x20: {  	_ = 	snop;
	(pc) =	sbr.rel @p1 .LBB1_7-.Ltmp2, $1  }
0x21: {  	_ =	sdelay $0x3  }
0x22: {  	s15 =	simm.s32 $0x1;
	s17 =	sand.u32 $0x1, s12  }
0x23: {  	_ =	swait.ge [sflag:s5], $0x4000;
	s15 =	simm.s32 @!p0 $0x0;
	s17 =	smul.u32 $0x10200, s17  }
0x24: {  	p2 =	por $0x1, $0x1;
	[sflag:s5] =	ssyncset.done $0x0;
	s16 =	smul.u32 $0x10200, s15  }
0x25: {  	s18 =	sshll.u32 s15, $0x10;
	[sflag:s5] =	ssyncadd.s32 $0xFFFFC000;
	s30 =	sshrl.u32 s17, $0x2  }
0x26: {  	s31 =	sshrl.u32 s18, $0x2;
	s18 =	simm.s32 $0x0;
	s16 =	sshrl.u32 s16, $0x2  }
0x27: {  	s15 =	sor.u32 $0x8000, s30;
	s17 =	sadd.s32 $0x20, s31;
	s16 =	sor.u32 $0x8000, s16  }
.LBB1_3:
0x28: {  	s19 =	sshll.u32 s18, $0xD  }
0x29: {  	s19 =	sand.u32 $0x3FFFE000, s19  }
0x2a: {  	s21 =	sadd.s32 s19, s17  }
0x2b: {  	s31 =	smul.u32 $0x8100, s18;
	v3 =	vld [tilespmem:s21+$0x10]  }
0x2c: {  	v1 =	vld [tilespmem:s21+$0xFFFFFFF0]  }
0x2d: {  	s18 =	sshra.s32 s31, $0x2;
	v0 =	vld [tilespmem:s21+$0x0]  }
0x2e: {  	s18 =	sadd.s32 s18, s16;
	v2 =	vld [tilespmem:s21+$0xFFFFFFE0]  }
0x2f: {  	s19 =	sadd.s32 $0x0, s18  }
0x30: {  	p1 =	por p2, p2;
	s20 =	simm.s32 $0x4;
	s21 =	sadd.s32 $0x40, s21;
	[tilespmem:s19+$0x1830 ss:$0x81] =	vst.msk $0xffff, v3  }
.LBB1_4:
0x31: {  	v3 =	vld [tilespmem:s21+$0x10];
	p2 =	sne.s32 s20, $0x1FC;
	[tilespmem:s19+$0x810 ss:$0x81] =	vst.msk $0xffff, v1;
	s22 =	smov.u32 s20;
	s20 =	sadd.s32 $0x4, s20  }
.Ltmp3:
0x32: {  	v1 =	vld [tilespmem:s21+$0xFFFFFFF0];
	[tilespmem:s19+$0x1020 ss:$0x81] =	vst.msk $0xffff, v0;
	(pc) =	sbr.rel @p2 .LBB1_4-.Ltmp3, $4  }
0x33: {  	v0 =	vld [tilespmem:s21+$0x0];
	[tilespmem:s19+$0x0 ss:$0x81] =	vst.msk $0xffff, v2  }
0x34: {  	s19 =	sshra.s32 s22, $0x2;
	v2 =	vld [tilespmem:s21+$0xFFFFFFE0]  }
0x35: {  	s19 =	sadd.s32 s19, s18  }
0x36: {  	s21 =	sadd.s32 $0x40, s21;
	[tilespmem:s19+$0x1830 ss:$0x81] =	vst.msk $0xffff, v3  }
.Ltmp4:
0x37: {  	(pc) =	sbr.rel @p1 .LBB1_3-.Ltmp4, $4  }
0x38: {  	_ = 	snop  }
0x39: {  	[tilespmem:s19+$0x810 ss:$0x81] =	vst.msk $0xffff, v1  }
0x3a: {  	[tilespmem:s19+$0x1020 ss:$0x81] =	vst.msk $0xffff, v0  }
0x3b: {  	s18 =	simm.s32 $0x1;
	p2 =	por $0x0, $0x0;
	[tilespmem:s19+$0x0 ss:$0x81] =	vst.msk $0xffff, v2  }
.Ltmp5:
0x3c: {  	s16 =	sand.u32 $0xF80, s13;
	s14 =	sshll.u32 s14, $0xC;
	(pc) =	sbr.rel .LBB1_7-.Ltmp5, $4  }
0x3d: {  	s17 =	sshrl.u32 s13, $0x3;
	s31 =	sand.u32 $0x7, s13;
	s14 =	sadd.s32 s3, s14  }
0x3e: {  	s17 =	sand.u32 $0xF, s17;
	s13 =	sshll.u32 s31, $0x12;
	s14 =	sadd.s32 s16, s14  }
0x3f: {  	s13 =	sor.u32 $0x400, s13;
	s14 =	sadd.s32 s17, s14  }
0x40: {  	[hbm4b:s14+s13] =	stream.strided.scatter [tilespmem:s15], [sflag:$0x2], $0x4000, s9, s13, $0x20;
	[tilespmem:$0x10100] =	vst v63  }
.LBB1_8:
0x41: {  	_ =	sfence.sel $0x180000  }
0x42: {  	s2 =	simm.s32 $0x1;
	[bflag:$0x0] =	sbarrier.arrive $0xFFFF  }
0x43: {  	s31 =	simm.s32 $0x2;
	[sflag:s2] =	ssyncpa.u1 $0x1  }
0x44: {  	[sflag:s31] =	ssyncpa.u1 $0x1  }
0x45: {  	p0 =	sne.s32 s0, $0x0;
	_ =	strace $0x9000004A  }
0x46: {  	s0 =	sadd.s32 @!p0 $0x100000, s1;
	[bflag:$0x2] =	sbarrier.arrive $0xFFFF  }
0x47: {  	[sflag:s0] =	ssyncadd.tile.s32 @!p0 $0x1;
	_ =	shalt  }
.Lfunc_end1:
_tile_overlayer_lowered:
.L_overlay_start_2:
0x48: {  	(tag) =	ssettag $0x2  }
0x49: {  	s0 =	rddreg [dreg:$0x0];
	s2 =	stileid.u32  }
0x4a: {  	s1 =	rddreg [dreg:$0x1];
	p0 =	sne.s32 s2, $0x0  }
0x4b: {  	s3 =	rddreg [dreg:$0x2];
	[bflag:$0x3] =	sbarrier.arrive $0xFFFF;
	s2 =	simm.s32 @!p0 $0x1C01  }
0x4c: {  	[timem:s3], [sflag:s2] =	dma.local @!p0 [hbm:s0], s1  }
0x4d: {  	s0 =	simm.s32 @!p0 $0x1  }
0x4e: {  	_ =	swait.ge @!p0 [sflag:s0], s1  }
0x4f: {  	s1 =	ssub.s32 @!p0 $0x0, s1;
	[sflag:s0] =	ssyncset.done @!p0 $0x0  }
0x50: {  	[sflag:s0] =	ssyncadd.s32 @!p0 s1  }
0x51: {  	[bflag:$0x3] =	sbarrier.arrive $0xFFFF  }
0x52: {  	_ =	shalt  }

</sc_bundles>
